<compile_context>
chip_gen: v7x
topology: tpu7x:2x2x1
jax: 0.10.2.dev20260603
libtpu: 0.0.44.dev20260713+nightly
codegen_flags: <defaults>
</compile_context>

<pallas_src>
import dataclasses
import functools

import jax
import jax.numpy as jnp
from jax import lax
from jax.experimental import pallas as pl
from jax.experimental.pallas import tpu as pltpu
from jax.experimental.pallas import tpu_sc as plsc

E = 320000
D = 128
NW = 32
PER_W = E // NW
C = 80
STEPS = PER_W // C
PAIRS = (STEPS - 1) // 2
LANES = 16
assert PER_W % C == 0 and C % LANES == 0 and STEPS % 2 == 1


def _make_kernel():
    mesh = plsc.VectorSubcoreMesh(core_axis_name="c", subcore_axis_name="s")
    cp = pltpu.CompilerParams()
    if "needs_layout_passes" in pltpu.CompilerParams.__dataclass_fields__:
        cp = dataclasses.replace(cp, needs_layout_passes=False)

    @functools.partial(
        pl.kernel,
        mesh=mesh,
        compiler_params=cp,
        out_type=jax.ShapeDtypeStruct((E,), jnp.float32),
        scratch_types=[
            pltpu.VMEM((PER_W,), jnp.int32),
            pltpu.VMEM((PER_W,), jnp.int32),
            pltpu.VMEM((C, D), jnp.float32),
            pltpu.VMEM((C, D), jnp.float32),
            pltpu.VMEM((C, D), jnp.float32),
            pltpu.VMEM((C, D), jnp.float32),
            pltpu.VMEM((PER_W,), jnp.float32),
            pltpu.VMEM((C, LANES), jnp.float32),
            pltpu.SemaphoreType.DMA,
            pltpu.SemaphoreType.DMA,
            pltpu.SemaphoreType.DMA,
            pltpu.SemaphoreType.DMA,
        ],
    )
    def k(xh_hbm, xt_hbm, ei_hbm, out_hbm,
          i0_v, i1_v, h0_v, t0_v, h1_v, t1_v, o_v, sq_v,
          sem_h0, sem_t0, sem_h1, sem_t1):
        wid = lax.axis_index("s") * 2 + lax.axis_index("c")
        base = wid * PER_W
        pltpu.sync_copy(ei_hbm.at[pl.ds(base, PER_W)], i0_v)
        pltpu.sync_copy(ei_hbm.at[pl.ds(E + base, PER_W)], i1_v)

        iota = lax.iota(jnp.int32, LANES)
        cols = [jnp.full((LANES,), j, jnp.int32) for j in range(LANES)]

        def start(s, h_ref, t_ref, sh, st):
            off = s * C
            pltpu.async_copy(xh_hbm.at[i0_v.at[pl.ds(off, C)]], h_ref, sh)
            pltpu.async_copy(xt_hbm.at[i1_v.at[pl.ds(off, C)]], t_ref, st)

        def wait(s, h_ref, t_ref, sh, st):
            off = s * C
            pltpu.make_async_copy(
                xh_hbm.at[i0_v.at[pl.ds(off, C)]], h_ref, sh).wait()
            pltpu.make_async_copy(
                xt_hbm.at[i1_v.at[pl.ds(off, C)]], t_ref, st).wait()

        def compute(s, h_ref, t_ref):
            off = s * C

            @pl.loop(0, C)
            def _(e):
                acc = h_ref[e, pl.ds(0, LANES)] * t_ref[e, pl.ds(0, LANES)]
                for c in range(1, D // LANES):
                    acc = acc + (h_ref[e, pl.ds(c * LANES, LANES)]
                                 * t_ref[e, pl.ds(c * LANES, LANES)])
                sq_v[e, :] = acc

            @pl.loop(0, C // LANES)
            def _(g):
                rows = g * LANES + iota
                ovec = plsc.load_gather(sq_v, [rows, cols[0]])
                for j in range(1, LANES):
                    ovec = ovec + plsc.load_gather(sq_v, [rows, cols[j]])
                o_v[pl.ds(off + g * LANES, LANES)] = ovec

        start(0, h0_v, t0_v, sem_h0, sem_t0)

        @pl.loop(0, PAIRS)
        def _(p):
            s0 = 2 * p
            start(s0 + 1, h1_v, t1_v, sem_h1, sem_t1)
            wait(s0, h0_v, t0_v, sem_h0, sem_t0)
            compute(s0, h0_v, t0_v)
            start(s0 + 2, h0_v, t0_v, sem_h0, sem_t0)
            wait(s0 + 1, h1_v, t1_v, sem_h1, sem_t1)
            compute(s0 + 1, h1_v, t1_v)

        wait(STEPS - 1, h0_v, t0_v, sem_h0, sem_t0)
        compute(STEPS - 1, h0_v, t0_v)

        pltpu.sync_copy(o_v, out_hbm.at[pl.ds(base, PER_W)])

    return k


_sc_kernel = _make_kernel()


def kernel(x_head, x_tail, edge_label_index):
    ei = edge_label_index.astype(jnp.int32).reshape(-1)
    return _sc_kernel(x_head, x_tail, ei)

# --- scband reference (transcript-rebuilt; emitter-appended) ---
"""Pipeline reference for scband-classifier-13529146982744 (READ-ONLY COPY).

The authoritative reference and input builder live on the scoring server;
editing this copy changes nothing except your own understanding.
"""

import jax, jax.numpy as jnp
import numpy as np

def setup_inputs(seed: int = 0) -> dict:
    key = jax.random.key(seed)
    k1, k2, k3 = jax.random.split(key, 3)
    x_head = jax.random.normal(k1, (10000, 128), dtype=jnp.float32)
    x_tail = jax.random.normal(k2, (10000, 128), dtype=jnp.float32)
    edge_label_index = jax.random.randint(k3, (2, 320000), 0, 10000, dtype=jnp.int64)
    return {"x_head": x_head, "x_tail": x_tail, "edge_label_index": edge_label_index}

def reference(x_head, x_tail, edge_label_index):
    # gather node features for head and tail endpoints of each labeled edge
    edge_feat_head = jnp.take(x_head, edge_label_index[0], axis=0)
    edge_feat_tail = jnp.take(x_tail, edge_label_index[1], axis=0)
    # elementwise product + reduce over feature dim -> per-edge score
    return (edge_feat_head * edge_feat_tail).sum(axis=-1)

if __name__ == "__main__":
    import jax
    _d = setup_inputs()
    print(jax.jit(kernel)(*tuple(_d.values())))

</pallas_src>

<mosaic_0001>
#map = affine_map<(d0, d1) -> (0, 0)>
#map1 = affine_map<(d0, d1) -> (0)>
module attributes {stable_mosaic.version = 14 : i64} {
  func.func @k(%arg0: i32, %arg1: i32, %arg2: memref<10000x128xf32, #tpu.memory_space<hbm>>, %arg3: memref<10000x128xf32, #tpu.memory_space<hbm>>, %arg4: memref<640000xi32, #tpu.memory_space<hbm>>, %arg5: memref<320000xf32, #tpu.memory_space<hbm>>, %arg6: memref<10000xi32, #tpu.memory_space<vmem>>, %arg7: memref<10000xi32, #tpu.memory_space<vmem>>, %arg8: memref<80x128xf32, #tpu.memory_space<vmem>>, %arg9: memref<80x128xf32, #tpu.memory_space<vmem>>, %arg10: memref<80x128xf32, #tpu.memory_space<vmem>>, %arg11: memref<80x128xf32, #tpu.memory_space<vmem>>, %arg12: memref<10000xf32, #tpu.memory_space<vmem>>, %arg13: memref<80x16xf32, #tpu.memory_space<vmem>>, %arg14: memref<!tpu.dma_semaphore, #tpu.memory_space<semaphore_mem>>, %arg15: memref<!tpu.dma_semaphore, #tpu.memory_space<semaphore_mem>>, %arg16: memref<!tpu.dma_semaphore, #tpu.memory_space<semaphore_mem>>, %arg17: memref<!tpu.dma_semaphore, #tpu.memory_space<semaphore_mem>>) attributes {dimension_semantics = [#tpu.dimension_semantics<core_parallel>, #tpu.dimension_semantics<subcore_parallel>], iteration_bounds = array<i64: 2, 16>, scalar_prefetch = 0 : i64, scratch_operands = 12 : i64, tpu.core_type = #tpu.core_type<sc_vector_subcore>, window_params = [{transform_indices = #map}, {transform_indices = #map}, {transform_indices = #map1}, {transform_indices = #map1}]} {
    %mul3A = arith.constant 2 : i32
    %mul3A_0 = arith.muli %arg1, %mul3A : i32
    %add3A = arith.addi %mul3A_0, %arg0 : i32
    %mul3A_1 = arith.constant 10000 : i32
    %mul3A_2 = arith.muli %add3A, %mul3A_1 : i32
    "tpu.region"() ({
      %run_scoped3A = tpu.sem_alloc : memref<!tpu.dma_semaphore, #tpu.memory_space<semaphore_mem>>
      %dma_start3A_68 = tpu.memref_slice %arg4[%mul3A_2] : memref<640000xi32, #tpu.memory_space<hbm>> -> memref<10000xi32, #tpu.memory_space<hbm>>
      %dma_start3A_69 = tpu.memref_slice %arg4[%mul3A_2] : memref<640000xi32, #tpu.memory_space<hbm>> -> memref<10000xi32, #tpu.memory_space<hbm>>
      tpu.enqueue_dma source(%dma_start3A_69 : memref<10000xi32, #tpu.memory_space<hbm>>) target(%arg6 : memref<10000xi32, #tpu.memory_space<vmem>>) target_semaphore(%run_scoped3A : memref<!tpu.dma_semaphore, #tpu.memory_space<semaphore_mem>>)
      %dma_wait3A_70 = tpu.memref_slice %arg4[%mul3A_2] : memref<640000xi32, #tpu.memory_space<hbm>> -> memref<10000xi32, #tpu.memory_space<hbm>>
      %dma_wait3A_71 = tpu.memref_slice %arg4[%mul3A_2] : memref<640000xi32, #tpu.memory_space<hbm>> -> memref<10000xi32, #tpu.memory_space<hbm>>
      tpu.wait_dma2 semaphore(%run_scoped3A : memref<!tpu.dma_semaphore, #tpu.memory_space<semaphore_mem>>) src(%dma_wait3A_71 : memref<10000xi32, #tpu.memory_space<hbm>>) dst(%arg6 : memref<10000xi32, #tpu.memory_space<vmem>>)
      tpu.yield
    }) : () -> ()
    %add3A_3 = arith.constant 320000 : i32
    %add3A_4 = arith.addi %add3A_3, %mul3A_2 : i32
    "tpu.region"() ({
      %run_scoped3A = tpu.sem_alloc : memref<!tpu.dma_semaphore, #tpu.memory_space<semaphore_mem>>
      %dma_start3A_68 = tpu.memref_slice %arg4[%add3A_4] : memref<640000xi32, #tpu.memory_space<hbm>> -> memref<10000xi32, #tpu.memory_space<hbm>>
      %dma_start3A_69 = tpu.memref_slice %arg4[%add3A_4] : memref<640000xi32, #tpu.memory_space<hbm>> -> memref<10000xi32, #tpu.memory_space<hbm>>
      tpu.enqueue_dma source(%dma_start3A_69 : memref<10000xi32, #tpu.memory_space<hbm>>) target(%arg7 : memref<10000xi32, #tpu.memory_space<vmem>>) target_semaphore(%run_scoped3A : memref<!tpu.dma_semaphore, #tpu.memory_space<semaphore_mem>>)
      %dma_wait3A_70 = tpu.memref_slice %arg4[%add3A_4] : memref<640000xi32, #tpu.memory_space<hbm>> -> memref<10000xi32, #tpu.memory_space<hbm>>
      %dma_wait3A_71 = tpu.memref_slice %arg4[%add3A_4] : memref<640000xi32, #tpu.memory_space<hbm>> -> memref<10000xi32, #tpu.memory_space<hbm>>
      tpu.wait_dma2 semaphore(%run_scoped3A : memref<!tpu.dma_semaphore, #tpu.memory_space<semaphore_mem>>) src(%dma_wait3A_71 : memref<10000xi32, #tpu.memory_space<hbm>>) dst(%arg7 : memref<10000xi32, #tpu.memory_space<vmem>>)
      tpu.yield
    }) : () -> ()
    %iota3A = tpu.iota {dimensions = array<i32: 0>} : vector<16xi32>
    %broadcast_in_dim3A = arith.constant 0 : i32
    %broadcast_in_dim3A_5 = vector.broadcast %broadcast_in_dim3A : i32 to vector<16xi32>
    %broadcast_in_dim3A_6 = arith.constant 1 : i32
    %broadcast_in_dim3A_7 = vector.broadcast %broadcast_in_dim3A_6 : i32 to vector<16xi32>
    %broadcast_in_dim3A_8 = arith.constant 2 : i32
    %broadcast_in_dim3A_9 = vector.broadcast %broadcast_in_dim3A_8 : i32 to vector<16xi32>
    %broadcast_in_dim3A_10 = arith.constant 3 : i32
    %broadcast_in_dim3A_11 = vector.broadcast %broadcast_in_dim3A_10 : i32 to vector<16xi32>
    %broadcast_in_dim3A_12 = arith.constant 4 : i32
    %broadcast_in_dim3A_13 = vector.broadcast %broadcast_in_dim3A_12 : i32 to vector<16xi32>
    %broadcast_in_dim3A_14 = arith.constant 5 : i32
    %broadcast_in_dim3A_15 = vector.broadcast %broadcast_in_dim3A_14 : i32 to vector<16xi32>
    %broadcast_in_dim3A_16 = arith.constant 6 : i32
    %broadcast_in_dim3A_17 = vector.broadcast %broadcast_in_dim3A_16 : i32 to vector<16xi32>
    %broadcast_in_dim3A_18 = arith.constant 7 : i32
    %broadcast_in_dim3A_19 = vector.broadcast %broadcast_in_dim3A_18 : i32 to vector<16xi32>
    %broadcast_in_dim3A_20 = arith.constant 8 : i32
    %broadcast_in_dim3A_21 = vector.broadcast %broadcast_in_dim3A_20 : i32 to vector<16xi32>
    %broadcast_in_dim3A_22 = arith.constant 9 : i32
    %broadcast_in_dim3A_23 = vector.broadcast %broadcast_in_dim3A_22 : i32 to vector<16xi32>
    %broadcast_in_dim3A_24 = arith.constant 10 : i32
    %broadcast_in_dim3A_25 = vector.broadcast %broadcast_in_dim3A_24 : i32 to vector<16xi32>
    %broadcast_in_dim3A_26 = arith.constant 11 : i32
    %broadcast_in_dim3A_27 = vector.broadcast %broadcast_in_dim3A_26 : i32 to vector<16xi32>
    %broadcast_in_dim3A_28 = arith.constant 12 : i32
    %broadcast_in_dim3A_29 = vector.broadcast %broadcast_in_dim3A_28 : i32 to vector<16xi32>
    %broadcast_in_dim3A_30 = arith.constant 13 : i32
    %broadcast_in_dim3A_31 = vector.broadcast %broadcast_in_dim3A_30 : i32 to vector<16xi32>
    %broadcast_in_dim3A_32 = arith.constant 14 : i32
    %broadcast_in_dim3A_33 = vector.broadcast %broadcast_in_dim3A_32 : i32 to vector<16xi32>
    %broadcast_in_dim3A_34 = arith.constant 15 : i32
    %broadcast_in_dim3A_35 = vector.broadcast %broadcast_in_dim3A_34 : i32 to vector<16xi32>
    %dma_start3A = arith.constant 0 : i32
    %dma_start3A_36 = tpu.memref_slice %arg6[%dma_start3A] : memref<10000xi32, #tpu.memory_space<vmem>> -> memref<80xi32, #tpu.memory_space<vmem>>
    %dma_start3A_37 = arith.constant 0 : i32
    %dma_start3A_38 = arith.constant 0 : i32
    %dma_start3A_39 = tpu.memref_slice %arg2[%dma_start3A_37, %dma_start3A_38] : memref<10000x128xf32, #tpu.memory_space<hbm>> -> memref<10000x128xf32, #tpu.memory_space<hbm>>
    tpu.enqueue_indirect_dma source(%dma_start3A_39 : memref<10000x128xf32, #tpu.memory_space<hbm>>) target(%arg8 : memref<80x128xf32, #tpu.memory_space<vmem>>) offsets(%dma_start3A_36 : memref<80xi32, #tpu.memory_space<vmem>>) semaphore(%arg14 : memref<!tpu.dma_semaphore, #tpu.memory_space<semaphore_mem>>)
    %dma_start3A_40 = arith.constant 0 : i32
    %dma_start3A_41 = tpu.memref_slice %arg7[%dma_start3A_40] : memref<10000xi32, #tpu.memory_space<vmem>> -> memref<80xi32, #tpu.memory_space<vmem>>
    %dma_start3A_42 = arith.constant 0 : i32
    %dma_start3A_43 = arith.constant 0 : i32
    %dma_start3A_44 = tpu.memref_slice %arg3[%dma_start3A_42, %dma_start3A_43] : memref<10000x128xf32, #tpu.memory_space<hbm>> -> memref<10000x128xf32, #tpu.memory_space<hbm>>
    tpu.enqueue_indirect_dma source(%dma_start3A_44 : memref<10000x128xf32, #tpu.memory_space<hbm>>) target(%arg9 : memref<80x128xf32, #tpu.memory_space<vmem>>) offsets(%dma_start3A_41 : memref<80xi32, #tpu.memory_space<vmem>>) semaphore(%arg15 : memref<!tpu.dma_semaphore, #tpu.memory_space<semaphore_mem>>)
    %scan3A = arith.constant 0 : i32
    %scan3A_45 = arith.constant 62 : i32
    %scan3A_46 = arith.addi %scan3A, %scan3A_45 : i32
    %scan3A_47 = arith.constant 1 : i32
    scf.for %scan3A_68 = %scan3A to %scan3A_46 step %scan3A_47  : i32 {
      %mul3A_69 = arith.constant 1 : i32
      %mul3A_70 = arith.muli %scan3A_68, %mul3A_69 : i32
      %add3A_71 = arith.constant 0 : i32
      %add3A_72 = arith.addi %add3A_71, %mul3A_70 : i32
      %mul3A_73 = arith.constant 2 : i32
      %mul3A_74 = arith.muli %mul3A_73, %add3A_72 : i32
      %add3A_75 = arith.constant 1 : i32
      %add3A_76 = arith.addi %mul3A_74, %add3A_75 : i32
      %mul3A_77 = arith.constant 80 : i32
      %mul3A_78 = arith.muli %add3A_76, %mul3A_77 : i32
      %dma_start3A_79 = tpu.memref_slice %arg6[%mul3A_78] : memref<10000xi32, #tpu.memory_space<vmem>> -> memref<80xi32, #tpu.memory_space<vmem>>
      %dma_start3A_80 = arith.constant 0 : i32
      %dma_start3A_81 = arith.constant 0 : i32
      %dma_start3A_82 = tpu.memref_slice %arg2[%dma_start3A_80, %dma_start3A_81] : memref<10000x128xf32, #tpu.memory_space<hbm>> -> memref<10000x128xf32, #tpu.memory_space<hbm>>
      tpu.enqueue_indirect_dma source(%dma_start3A_82 : memref<10000x128xf32, #tpu.memory_space<hbm>>) target(%arg10 : memref<80x128xf32, #tpu.memory_space<vmem>>) offsets(%dma_start3A_79 : memref<80xi32, #tpu.memory_space<vmem>>) semaphore(%arg16 : memref<!tpu.dma_semaphore, #tpu.memory_space<semaphore_mem>>)
      %dma_start3A_83 = tpu.memref_slice %arg7[%mul3A_78] : memref<10000xi32, #tpu.memory_space<vmem>> -> memref<80xi32, #tpu.memory_space<vmem>>
      %dma_start3A_84 = arith.constant 0 : i32
      %dma_start3A_85 = arith.constant 0 : i32
      %dma_start3A_86 = tpu.memref_slice %arg3[%dma_start3A_84, %dma_start3A_85] : memref<10000x128xf32, #tpu.memory_space<hbm>> -> memref<10000x128xf32, #tpu.memory_space<hbm>>
      tpu.enqueue_indirect_dma source(%dma_start3A_86 : memref<10000x128xf32, #tpu.memory_space<hbm>>) target(%arg11 : memref<80x128xf32, #tpu.memory_space<vmem>>) offsets(%dma_start3A_83 : memref<80xi32, #tpu.memory_space<vmem>>) semaphore(%arg17 : memref<!tpu.dma_semaphore, #tpu.memory_space<semaphore_mem>>)
      %mul3A_87 = arith.constant 80 : i32
      %mul3A_88 = arith.muli %mul3A_74, %mul3A_87 : i32
      %dma_wait3A_89 = tpu.memref_slice %arg6[%mul3A_88] : memref<10000xi32, #tpu.memory_space<vmem>> -> memref<80xi32, #tpu.memory_space<vmem>>
      %dma_wait3A_90 = arith.constant 0 : i32
      %dma_wait3A_91 = arith.constant 0 : i32
      %dma_wait3A_92 = tpu.memref_slice %arg2[%dma_wait3A_90, %dma_wait3A_91] : memref<10000x128xf32, #tpu.memory_space<hbm>> -> memref<10000x128xf32, #tpu.memory_space<hbm>>
      tpu.wait_indirect_dma semaphore(%arg14 : memref<!tpu.dma_semaphore, #tpu.memory_space<semaphore_mem>>) src(%dma_wait3A_92 : memref<10000x128xf32, #tpu.memory_space<hbm>>) dst(%arg8 : memref<80x128xf32, #tpu.memory_space<vmem>>)
      %dma_wait3A_93 = tpu.memref_slice %arg7[%mul3A_88] : memref<10000xi32, #tpu.memory_space<vmem>> -> memref<80xi32, #tpu.memory_space<vmem>>
      %dma_wait3A_94 = arith.constant 0 : i32
      %dma_wait3A_95 = arith.constant 0 : i32
      %dma_wait3A_96 = tpu.memref_slice %arg3[%dma_wait3A_94, %dma_wait3A_95] : memref<10000x128xf32, #tpu.memory_space<hbm>> -> memref<10000x128xf32, #tpu.memory_space<hbm>>
      tpu.wait_indirect_dma semaphore(%arg15 : memref<!tpu.dma_semaphore, #tpu.memory_space<semaphore_mem>>) src(%dma_wait3A_96 : memref<10000x128xf32, #tpu.memory_space<hbm>>) dst(%arg9 : memref<80x128xf32, #tpu.memory_space<vmem>>)
      %mul3A_97 = arith.constant 80 : i32
      %mul3A_98 = arith.muli %mul3A_74, %mul3A_97 : i32
      %scan3A_99 = arith.constant 0 : i32
      %scan3A_100 = arith.constant 80 : i32
      %scan3A_101 = arith.addi %scan3A_99, %scan3A_100 : i32
      %scan3A_102 = arith.constant 1 : i32
      scf.for %scan3A_147 = %scan3A_99 to %scan3A_101 step %scan3A_102  : i32 {
        %mul3A_148 = arith.constant 1 : i32
        %mul3A_149 = arith.muli %scan3A_147, %mul3A_148 : i32
        %add3A_150 = arith.constant 0 : i32
        %add3A_151 = arith.addi %add3A_150, %mul3A_149 : i32
        %get3A = arith.index_cast %add3A_151 : i32 to index
        %get3A_152 = arith.constant 0 : index
        %get3A_153 = tpu.vector_load %arg8[%get3A, %get3A_152] {strides = array<i32>} : memref<80x128xf32, #tpu.memory_space<vmem>>, vector<16xf32>,
        %get3A_154 = arith.index_cast %add3A_151 : i32 to index
        %get3A_155 = arith.constant 0 : index
        %get3A_156 = tpu.vector_load %arg9[%get3A_154, %get3A_155] {strides = array<i32>} : memref<80x128xf32, #tpu.memory_space<vmem>>, vector<16xf32>,
        %mul3A_157 = arith.mulf %get3A_153, %get3A_156 : vector<16xf32>
        %get3A_158 = arith.index_cast %add3A_151 : i32 to index
        %get3A_159 = arith.constant 16 : index
        %get3A_160 = tpu.vector_load %arg8[%get3A_158, %get3A_159] {strides = array<i32>} : memref<80x128xf32, #tpu.memory_space<vmem>>, vector<16xf32>,
        %get3A_161 = arith.index_cast %add3A_151 : i32 to index
        %get3A_162 = arith.constant 16 : index
        %get3A_163 = tpu.vector_load %arg9[%get3A_161, %get3A_162] {strides = array<i32>} : memref<80x128xf32, #tpu.memory_space<vmem>>, vector<16xf32>,
        %mul3A_164 = arith.mulf %get3A_160, %get3A_163 : vector<16xf32>
        %add3A_165 = arith.addf %mul3A_157, %mul3A_164 : vector<16xf32>
        %get3A_166 = arith.index_cast %add3A_151 : i32 to index
        %get3A_167 = arith.constant 32 : index
        %get3A_168 = tpu.vector_load %arg8[%get3A_166, %get3A_167] {strides = array<i32>} : memref<80x128xf32, #tpu.memory_space<vmem>>, vector<16xf32>,
        %get3A_169 = arith.index_cast %add3A_151 : i32 to index
        %get3A_170 = arith.constant 32 : index
        %get3A_171 = tpu.vector_load %arg9[%get3A_169, %get3A_170] {strides = array<i32>} : memref<80x128xf32, #tpu.memory_space<vmem>>, vector<16xf32>,
        %mul3A_172 = arith.mulf %get3A_168, %get3A_171 : vector<16xf32>
        %add3A_173 = arith.addf %add3A_165, %mul3A_172 : vector<16xf32>
        %get3A_174 = arith.index_cast %add3A_151 : i32 to index
        %get3A_175 = arith.constant 48 : index
        %get3A_176 = tpu.vector_load %arg8[%get3A_174, %get3A_175] {strides = array<i32>} : memref<80x128xf32, #tpu.memory_space<vmem>>, vector<16xf32>,
        %get3A_177 = arith.index_cast %add3A_151 : i32 to index
        %get3A_178 = arith.constant 48 : index
        %get3A_179 = tpu.vector_load %arg9[%get3A_177, %get3A_178] {strides = array<i32>} : memref<80x128xf32, #tpu.memory_space<vmem>>, vector<16xf32>,
        %mul3A_180 = arith.mulf %get3A_176, %get3A_179 : vector<16xf32>
        %add3A_181 = arith.addf %add3A_173, %mul3A_180 : vector<16xf32>
        %get3A_182 = arith.index_cast %add3A_151 : i32 to index
        %get3A_183 = arith.constant 64 : index
        %get3A_184 = tpu.vector_load %arg8[%get3A_182, %get3A_183] {strides = array<i32>} : memref<80x128xf32, #tpu.memory_space<vmem>>, vector<16xf32>,
        %get3A_185 = arith.index_cast %add3A_151 : i32 to index
        %get3A_186 = arith.constant 64 : index
        %get3A_187 = tpu.vector_load %arg9[%get3A_185, %get3A_186] {strides = array<i32>} : memref<80x128xf32, #tpu.memory_space<vmem>>, vector<16xf32>,
        %mul3A_188 = arith.mulf %get3A_184, %get3A_187 : vector<16xf32>
        %add3A_189 = arith.addf %add3A_181, %mul3A_188 : vector<16xf32>
        %get3A_190 = arith.index_cast %add3A_151 : i32 to index
        %get3A_191 = arith.constant 80 : index
        %get3A_192 = tpu.vector_load %arg8[%get3A_190, %get3A_191] {strides = array<i32>} : memref<80x128xf32, #tpu.memory_space<vmem>>, vector<16xf32>,
        %get3A_193 = arith.index_cast %add3A_151 : i32 to index
        %get3A_194 = arith.constant 80 : index
        %get3A_195 = tpu.vector_load %arg9[%get3A_193, %get3A_194] {strides = array<i32>} : memref<80x128xf32, #tpu.memory_space<vmem>>, vector<16xf32>,
        %mul3A_196 = arith.mulf %get3A_192, %get3A_195 : vector<16xf32>
        %add3A_197 = arith.addf %add3A_189, %mul3A_196 : vector<16xf32>
        %get3A_198 = arith.index_cast %add3A_151 : i32 to index
        %get3A_199 = arith.constant 96 : index
        %get3A_200 = tpu.vector_load %arg8[%get3A_198, %get3A_199] {strides = array<i32>} : memref<80x128xf32, #tpu.memory_space<vmem>>, vector<16xf32>,
        %get3A_201 = arith.index_cast %add3A_151 : i32 to index
        %get3A_202 = arith.constant 96 : index
        %get3A_203 = tpu.vector_load %arg9[%get3A_201, %get3A_202] {strides = array<i32>} : memref<80x128xf32, #tpu.memory_space<vmem>>, vector<16xf32>,
        %mul3A_204 = arith.mulf %get3A_200, %get3A_203 : vector<16xf32>
        %add3A_205 = arith.addf %add3A_197, %mul3A_204 : vector<16xf32>
        %get3A_206 = arith.index_cast %add3A_151 : i32 to index
        %get3A_207 = arith.constant 112 : index
        %get3A_208 = tpu.vector_load %arg8[%get3A_206, %get3A_207] {strides = array<i32>} : memref<80x128xf32, #tpu.memory_space<vmem>>, vector<16xf32>,
        %get3A_209 = arith.index_cast %add3A_151 : i32 to index
        %get3A_210 = arith.constant 112 : index
        %get3A_211 = tpu.vector_load %arg9[%get3A_209, %get3A_210] {strides = array<i32>} : memref<80x128xf32, #tpu.memory_space<vmem>>, vector<16xf32>,
        %mul3A_212 = arith.mulf %get3A_208, %get3A_211 : vector<16xf32>
        %add3A_213 = arith.addf %add3A_205, %mul3A_212 : vector<16xf32>
        %swap3A = arith.index_cast %add3A_151 : i32 to index
        %swap3A_214 = arith.constant 0 : index
        %swap3A_215 = tpu.vector_load %arg13[%swap3A, %swap3A_214] {strides = array<i32>} : memref<80x16xf32, #tpu.memory_space<vmem>>, vector<16xf32>,
        tpu.vector_store %arg13[%swap3A, %swap3A_214], %add3A_213 {strides = array<i32>} : memref<80x16xf32, #tpu.memory_space<vmem>>, vector<16xf32>,
      }
      %scan3A_103 = arith.constant 80 : i32
      %scan3A_104 = arith.constant 0 : i32
      %scan3A_105 = arith.constant 5 : i32
      %scan3A_106 = arith.addi %scan3A_104, %scan3A_105 : i32
      %scan3A_107 = arith.constant 1 : i32
      scf.for %scan3A_147 = %scan3A_104 to %scan3A_106 step %scan3A_107  : i32 {
        %mul3A_148 = arith.constant 1 : i32
        %mul3A_149 = arith.muli %scan3A_147, %mul3A_148 : i32
        %add3A_150 = arith.constant 0 : i32
        %add3A_151 = arith.addi %add3A_150, %mul3A_149 : i32
        %mul3A_152 = arith.constant 16 : i32
        %mul3A_153 = arith.muli %add3A_151, %mul3A_152 : i32
        %add3A_154 = vector.broadcast %mul3A_153 : i32 to vector<16xi32>
        %add3A_155 = arith.addi %add3A_154, %iota3A : vector<16xi32>
        %gather3A = tpu.vector_load_idx %arg13[%add3A_155, %broadcast_in_dim3A_5] : memref<80x16xf32, #tpu.memory_space<vmem>>[vector<16xi32>, vector<16xi32>], vector<16xf32>,
        %gather3A_156 = tpu.vector_load_idx %arg13[%add3A_155, %broadcast_in_dim3A_7] : memref<80x16xf32, #tpu.memory_space<vmem>>[vector<16xi32>, vector<16xi32>], vector<16xf32>,
        %add3A_157 = arith.addf %gather3A, %gather3A_156 : vector<16xf32>
        %gather3A_158 = tpu.vector_load_idx %arg13[%add3A_155, %broadcast_in_dim3A_9] : memref<80x16xf32, #tpu.memory_space<vmem>>[vector<16xi32>, vector<16xi32>], vector<16xf32>,
        %add3A_159 = arith.addf %add3A_157, %gather3A_158 : vector<16xf32>
        %gather3A_160 = tpu.vector_load_idx %arg13[%add3A_155, %broadcast_in_dim3A_11] : memref<80x16xf32, #tpu.memory_space<vmem>>[vector<16xi32>, vector<16xi32>], vector<16xf32>,
        %add3A_161 = arith.addf %add3A_159, %gather3A_160 : vector<16xf32>
        %gather3A_162 = tpu.vector_load_idx %arg13[%add3A_155, %broadcast_in_dim3A_13] : memref<80x16xf32, #tpu.memory_space<vmem>>[vector<16xi32>, vector<16xi32>], vector<16xf32>,
        %add3A_163 = arith.addf %add3A_161, %gather3A_162 : vector<16xf32>
        %gather3A_164 = tpu.vector_load_idx %arg13[%add3A_155, %broadcast_in_dim3A_15] : memref<80x16xf32, #tpu.memory_space<vmem>>[vector<16xi32>, vector<16xi32>], vector<16xf32>,
        %add3A_165 = arith.addf %add3A_163, %gather3A_164 : vector<16xf32>
        %gather3A_166 = tpu.vector_load_idx %arg13[%add3A_155, %broadcast_in_dim3A_17] : memref<80x16xf32, #tpu.memory_space<vmem>>[vector<16xi32>, vector<16xi32>], vector<16xf32>,
        %add3A_167 = arith.addf %add3A_165, %gather3A_166 : vector<16xf32>
        %gather3A_168 = tpu.vector_load_idx %arg13[%add3A_155, %broadcast_in_dim3A_19] : memref<80x16xf32, #tpu.memory_space<vmem>>[vector<16xi32>, vector<16xi32>], vector<16xf32>,
        %add3A_169 = arith.addf %add3A_167, %gather3A_168 : vector<16xf32>
        %gather3A_170 = tpu.vector_load_idx %arg13[%add3A_155, %broadcast_in_dim3A_21] : memref<80x16xf32, #tpu.memory_space<vmem>>[vector<16xi32>, vector<16xi32>], vector<16xf32>,
        %add3A_171 = arith.addf %add3A_169, %gather3A_170 : vector<16xf32>
        %gather3A_172 = tpu.vector_load_idx %arg13[%add3A_155, %broadcast_in_dim3A_23] : memref<80x16xf32, #tpu.memory_space<vmem>>[vector<16xi32>, vector<16xi32>], vector<16xf32>,
        %add3A_173 = arith.addf %add3A_171, %gather3A_172 : vector<16xf32>
        %gather3A_174 = tpu.vector_load_idx %arg13[%add3A_155, %broadcast_in_dim3A_25] : memref<80x16xf32, #tpu.memory_space<vmem>>[vector<16xi32>, vector<16xi32>], vector<16xf32>,
        %add3A_175 = arith.addf %add3A_173, %gather3A_174 : vector<16xf32>
        %gather3A_176 = tpu.vector_load_idx %arg13[%add3A_155, %broadcast_in_dim3A_27] : memref<80x16xf32, #tpu.memory_space<vmem>>[vector<16xi32>, vector<16xi32>], vector<16xf32>,
        %add3A_177 = arith.addf %add3A_175, %gather3A_176 : vector<16xf32>
        %gather3A_178 = tpu.vector_load_idx %arg13[%add3A_155, %broadcast_in_dim3A_29] : memref<80x16xf32, #tpu.memory_space<vmem>>[vector<16xi32>, vector<16xi32>], vector<16xf32>,
        %add3A_179 = arith.addf %add3A_177, %gather3A_178 : vector<16xf32>
        %gather3A_180 = tpu.vector_load_idx %arg13[%add3A_155, %broadcast_in_dim3A_31] : memref<80x16xf32, #tpu.memory_space<vmem>>[vector<16xi32>, vector<16xi32>], vector<16xf32>,
        %add3A_181 = arith.addf %add3A_179, %gather3A_180 : vector<16xf32>
        %gather3A_182 = tpu.vector_load_idx %arg13[%add3A_155, %broadcast_in_dim3A_33] : memref<80x16xf32, #tpu.memory_space<vmem>>[vector<16xi32>, vector<16xi32>], vector<16xf32>,
        %add3A_183 = arith.addf %add3A_181, %gather3A_182 : vector<16xf32>
        %gather3A_184 = tpu.vector_load_idx %arg13[%add3A_155, %broadcast_in_dim3A_35] : memref<80x16xf32, #tpu.memory_space<vmem>>[vector<16xi32>, vector<16xi32>], vector<16xf32>,
        %add3A_185 = arith.addf %add3A_183, %gather3A_184 : vector<16xf32>
        %mul3A_186 = arith.constant 16 : i32
        %mul3A_187 = arith.muli %add3A_151, %mul3A_186 : i32
        %add3A_188 = arith.addi %mul3A_98, %mul3A_187 : i32
        %swap3A = arith.index_cast %add3A_188 : i32 to index
        %swap3A_189 = tpu.vector_load %arg12[%swap3A] {strides = array<i32>} : memref<10000xf32, #tpu.memory_space<vmem>>, vector<16xf32>,
        tpu.vector_store %arg12[%swap3A], %add3A_185 {strides = array<i32>} : memref<10000xf32, #tpu.memory_space<vmem>>, vector<16xf32>,
      }
      %scan3A_108 = arith.constant 5 : i32
      %add3A_109 = arith.constant 2 : i32
      %add3A_110 = arith.addi %mul3A_74, %add3A_109 : i32
      %mul3A_111 = arith.constant 80 : i32
      %mul3A_112 = arith.muli %add3A_110, %mul3A_111 : i32
      %dma_start3A_113 = tpu.memref_slice %arg6[%mul3A_112] : memref<10000xi32, #tpu.memory_space<vmem>> -> memref<80xi32, #tpu.memory_space<vmem>>
      %dma_start3A_114 = arith.constant 0 : i32
      %dma_start3A_115 = arith.constant 0 : i32
      %dma_start3A_116 = tpu.memref_slice %arg2[%dma_start3A_114, %dma_start3A_115] : memref<10000x128xf32, #tpu.memory_space<hbm>> -> memref<10000x128xf32, #tpu.memory_space<hbm>>
      tpu.enqueue_indirect_dma source(%dma_start3A_116 : memref<10000x128xf32, #tpu.memory_space<hbm>>) target(%arg8 : memref<80x128xf32, #tpu.memory_space<vmem>>) offsets(%dma_start3A_113 : memref<80xi32, #tpu.memory_space<vmem>>) semaphore(%arg14 : memref<!tpu.dma_semaphore, #tpu.memory_space<semaphore_mem>>)
      %dma_start3A_117 = tpu.memref_slice %arg7[%mul3A_112] : memref<10000xi32, #tpu.memory_space<vmem>> -> memref<80xi32, #tpu.memory_space<vmem>>
      %dma_start3A_118 = arith.constant 0 : i32
      %dma_start3A_119 = arith.constant 0 : i32
      %dma_start3A_120 = tpu.memref_slice %arg3[%dma_start3A_118, %dma_start3A_119] : memref<10000x128xf32, #tpu.memory_space<hbm>> -> memref<10000x128xf32, #tpu.memory_space<hbm>>
      tpu.enqueue_indirect_dma source(%dma_start3A_120 : memref<10000x128xf32, #tpu.memory_space<hbm>>) target(%arg9 : memref<80x128xf32, #tpu.memory_space<vmem>>) offsets(%dma_start3A_117 : memref<80xi32, #tpu.memory_space<vmem>>) semaphore(%arg15 : memref<!tpu.dma_semaphore, #tpu.memory_space<semaphore_mem>>)
      %add3A_121 = arith.constant 1 : i32
      %add3A_122 = arith.addi %mul3A_74, %add3A_121 : i32
      %mul3A_123 = arith.constant 80 : i32
      %mul3A_124 = arith.muli %add3A_122, %mul3A_123 : i32
      %dma_wait3A_125 = tpu.memref_slice %arg6[%mul3A_124] : memref<10000xi32, #tpu.memory_space<vmem>> -> memref<80xi32, #tpu.memory_space<vmem>>
      %dma_wait3A_126 = arith.constant 0 : i32
      %dma_wait3A_127 = arith.constant 0 : i32
      %dma_wait3A_128 = tpu.memref_slice %arg2[%dma_wait3A_126, %dma_wait3A_127] : memref<10000x128xf32, #tpu.memory_space<hbm>> -> memref<10000x128xf32, #tpu.memory_space<hbm>>
      tpu.wait_indirect_dma semaphore(%arg16 : memref<!tpu.dma_semaphore, #tpu.memory_space<semaphore_mem>>) src(%dma_wait3A_128 : memref<10000x128xf32, #tpu.memory_space<hbm>>) dst(%arg10 : memref<80x128xf32, #tpu.memory_space<vmem>>)
      %dma_wait3A_129 = tpu.memref_slice %arg7[%mul3A_124] : memref<10000xi32, #tpu.memory_space<vmem>> -> memref<80xi32, #tpu.memory_space<vmem>>
      %dma_wait3A_130 = arith.constant 0 : i32
      %dma_wait3A_131 = arith.constant 0 : i32
      %dma_wait3A_132 = tpu.memref_slice %arg3[%dma_wait3A_130, %dma_wait3A_131] : memref<10000x128xf32, #tpu.memory_space<hbm>> -> memref<10000x128xf32, #tpu.memory_space<hbm>>
      tpu.wait_indirect_dma semaphore(%arg17 : memref<!tpu.dma_semaphore, #tpu.memory_space<semaphore_mem>>) src(%dma_wait3A_132 : memref<10000x128xf32, #tpu.memory_space<hbm>>) dst(%arg11 : memref<80x128xf32, #tpu.memory_space<vmem>>)
      %add3A_133 = arith.constant 1 : i32
      %add3A_134 = arith.addi %mul3A_74, %add3A_133 : i32
      %mul3A_135 = arith.constant 80 : i32
      %mul3A_136 = arith.muli %add3A_134, %mul3A_135 : i32
      %scan3A_137 = arith.constant 0 : i32
      %scan3A_138 = arith.constant 80 : i32
      %scan3A_139 = arith.addi %scan3A_137, %scan3A_138 : i32
      %scan3A_140 = arith.constant 1 : i32
      scf.for %scan3A_147 = %scan3A_137 to %scan3A_139 step %scan3A_140  : i32 {
        %mul3A_148 = arith.constant 1 : i32
        %mul3A_149 = arith.muli %scan3A_147, %mul3A_148 : i32
        %add3A_150 = arith.constant 0 : i32
        %add3A_151 = arith.addi %add3A_150, %mul3A_149 : i32
        %get3A = arith.index_cast %add3A_151 : i32 to index
        %get3A_152 = arith.constant 0 : index
        %get3A_153 = tpu.vector_load %arg10[%get3A, %get3A_152] {strides = array<i32>} : memref<80x128xf32, #tpu.memory_space<vmem>>, vector<16xf32>,
        %get3A_154 = arith.index_cast %add3A_151 : i32 to index
        %get3A_155 = arith.constant 0 : index
        %get3A_156 = tpu.vector_load %arg11[%get3A_154, %get3A_155] {strides = array<i32>} : memref<80x128xf32, #tpu.memory_space<vmem>>, vector<16xf32>,
        %mul3A_157 = arith.mulf %get3A_153, %get3A_156 : vector<16xf32>
        %get3A_158 = arith.index_cast %add3A_151 : i32 to index
        %get3A_159 = arith.constant 16 : index
        %get3A_160 = tpu.vector_load %arg10[%get3A_158, %get3A_159] {strides = array<i32>} : memref<80x128xf32, #tpu.memory_space<vmem>>, vector<16xf32>,
        %get3A_161 = arith.index_cast %add3A_151 : i32 to index
        %get3A_162 = arith.constant 16 : index
        %get3A_163 = tpu.vector_load %arg11[%get3A_161, %get3A_162] {strides = array<i32>} : memref<80x128xf32, #tpu.memory_space<vmem>>, vector<16xf32>,
        %mul3A_164 = arith.mulf %get3A_160, %get3A_163 : vector<16xf32>
        %add3A_165 = arith.addf %mul3A_157, %mul3A_164 : vector<16xf32>
        %get3A_166 = arith.index_cast %add3A_151 : i32 to index
        %get3A_167 = arith.constant 32 : index
        %get3A_168 = tpu.vector_load %arg10[%get3A_166, %get3A_167] {strides = array<i32>} : memref<80x128xf32, #tpu.memory_space<vmem>>, vector<16xf32>,
        %get3A_169 = arith.index_cast %add3A_151 : i32 to index
        %get3A_170 = arith.constant 32 : index
        %get3A_171 = tpu.vector_load %arg11[%get3A_169, %get3A_170] {strides = array<i32>} : memref<80x128xf32, #tpu.memory_space<vmem>>, vector<16xf32>,
        %mul3A_172 = arith.mulf %get3A_168, %get3A_171 : vector<16xf32>
        %add3A_173 = arith.addf %add3A_165, %mul3A_172 : vector<16xf32>
        %get3A_174 = arith.index_cast %add3A_151 : i32 to index
        %get3A_175 = arith.constant 48 : index
        %get3A_176 = tpu.vector_load %arg10[%get3A_174, %get3A_175] {strides = array<i32>} : memref<80x128xf32, #tpu.memory_space<vmem>>, vector<16xf32>,
        %get3A_177 = arith.index_cast %add3A_151 : i32 to index
        %get3A_178 = arith.constant 48 : index
        %get3A_179 = tpu.vector_load %arg11[%get3A_177, %get3A_178] {strides = array<i32>} : memref<80x128xf32, #tpu.memory_space<vmem>>, vector<16xf32>,
        %mul3A_180 = arith.mulf %get3A_176, %get3A_179 : vector<16xf32>
        %add3A_181 = arith.addf %add3A_173, %mul3A_180 : vector<16xf32>
        %get3A_182 = arith.index_cast %add3A_151 : i32 to index
        %get3A_183 = arith.constant 64 : index
        %get3A_184 = tpu.vector_load %arg10[%get3A_182, %get3A_183] {strides = array<i32>} : memref<80x128xf32, #tpu.memory_space<vmem>>, vector<16xf32>,
        %get3A_185 = arith.index_cast %add3A_151 : i32 to index
        %get3A_186 = arith.constant 64 : index
        %get3A_187 = tpu.vector_load %arg11[%get3A_185, %get3A_186] {strides = array<i32>} : memref<80x128xf32, #tpu.memory_space<vmem>>, vector<16xf32>,
        %mul3A_188 = arith.mulf %get3A_184, %get3A_187 : vector<16xf32>
        %add3A_189 = arith.addf %add3A_181, %mul3A_188 : vector<16xf32>
        %get3A_190 = arith.index_cast %add3A_151 : i32 to index
        %get3A_191 = arith.constant 80 : index
        %get3A_192 = tpu.vector_load %arg10[%get3A_190, %get3A_191] {strides = array<i32>} : memref<80x128xf32, #tpu.memory_space<vmem>>, vector<16xf32>,
        %get3A_193 = arith.index_cast %add3A_151 : i32 to index
        %get3A_194 = arith.constant 80 : index
        %get3A_195 = tpu.vector_load %arg11[%get3A_193, %get3A_194] {strides = array<i32>} : memref<80x128xf32, #tpu.memory_space<vmem>>, vector<16xf32>,
        %mul3A_196 = arith.mulf %get3A_192, %get3A_195 : vector<16xf32>
        %add3A_197 = arith.addf %add3A_189, %mul3A_196 : vector<16xf32>
        %get3A_198 = arith.index_cast %add3A_151 : i32 to index
        %get3A_199 = arith.constant 96 : index
        %get3A_200 = tpu.vector_load %arg10[%get3A_198, %get3A_199] {strides = array<i32>} : memref<80x128xf32, #tpu.memory_space<vmem>>, vector<16xf32>,
        %get3A_201 = arith.index_cast %add3A_151 : i32 to index
        %get3A_202 = arith.constant 96 : index
        %get3A_203 = tpu.vector_load %arg11[%get3A_201, %get3A_202] {strides = array<i32>} : memref<80x128xf32, #tpu.memory_space<vmem>>, vector<16xf32>,
        %mul3A_204 = arith.mulf %get3A_200, %get3A_203 : vector<16xf32>
        %add3A_205 = arith.addf %add3A_197, %mul3A_204 : vector<16xf32>
        %get3A_206 = arith.index_cast %add3A_151 : i32 to index
        %get3A_207 = arith.constant 112 : index
        %get3A_208 = tpu.vector_load %arg10[%get3A_206, %get3A_207] {strides = array<i32>} : memref<80x128xf32, #tpu.memory_space<vmem>>, vector<16xf32>,
        %get3A_209 = arith.index_cast %add3A_151 : i32 to index
        %get3A_210 = arith.constant 112 : index
        %get3A_211 = tpu.vector_load %arg11[%get3A_209, %get3A_210] {strides = array<i32>} : memref<80x128xf32, #tpu.memory_space<vmem>>, vector<16xf32>,
        %mul3A_212 = arith.mulf %get3A_208, %get3A_211 : vector<16xf32>
        %add3A_213 = arith.addf %add3A_205, %mul3A_212 : vector<16xf32>
        %swap3A = arith.index_cast %add3A_151 : i32 to index
        %swap3A_214 = arith.constant 0 : index
        %swap3A_215 = tpu.vector_load %arg13[%swap3A, %swap3A_214] {strides = array<i32>} : memref<80x16xf32, #tpu.memory_space<vmem>>, vector<16xf32>,
        tpu.vector_store %arg13[%swap3A, %swap3A_214], %add3A_213 {strides = array<i32>} : memref<80x16xf32, #tpu.memory_space<vmem>>, vector<16xf32>,
      }
      %scan3A_141 = arith.constant 80 : i32
      %scan3A_142 = arith.constant 0 : i32
      %scan3A_143 = arith.constant 5 : i32
      %scan3A_144 = arith.addi %scan3A_142, %scan3A_143 : i32
      %scan3A_145 = arith.constant 1 : i32
      scf.for %scan3A_147 = %scan3A_142 to %scan3A_144 step %scan3A_145  : i32 {
        %mul3A_148 = arith.constant 1 : i32
        %mul3A_149 = arith.muli %scan3A_147, %mul3A_148 : i32
        %add3A_150 = arith.constant 0 : i32
        %add3A_151 = arith.addi %add3A_150, %mul3A_149 : i32
        %mul3A_152 = arith.constant 16 : i32
        %mul3A_153 = arith.muli %add3A_151, %mul3A_152 : i32
        %add3A_154 = vector.broadcast %mul3A_153 : i32 to vector<16xi32>
        %add3A_155 = arith.addi %add3A_154, %iota3A : vector<16xi32>
        %gather3A = tpu.vector_load_idx %arg13[%add3A_155, %broadcast_in_dim3A_5] : memref<80x16xf32, #tpu.memory_space<vmem>>[vector<16xi32>, vector<16xi32>], vector<16xf32>,
        %gather3A_156 = tpu.vector_load_idx %arg13[%add3A_155, %broadcast_in_dim3A_7] : memref<80x16xf32, #tpu.memory_space<vmem>>[vector<16xi32>, vector<16xi32>], vector<16xf32>,
        %add3A_157 = arith.addf %gather3A, %gather3A_156 : vector<16xf32>
        %gather3A_158 = tpu.vector_load_idx %arg13[%add3A_155, %broadcast_in_dim3A_9] : memref<80x16xf32, #tpu.memory_space<vmem>>[vector<16xi32>, vector<16xi32>], vector<16xf32>,
        %add3A_159 = arith.addf %add3A_157, %gather3A_158 : vector<16xf32>
        %gather3A_160 = tpu.vector_load_idx %arg13[%add3A_155, %broadcast_in_dim3A_11] : memref<80x16xf32, #tpu.memory_space<vmem>>[vector<16xi32>, vector<16xi32>], vector<16xf32>,
        %add3A_161 = arith.addf %add3A_159, %gather3A_160 : vector<16xf32>
        %gather3A_162 = tpu.vector_load_idx %arg13[%add3A_155, %broadcast_in_dim3A_13] : memref<80x16xf32, #tpu.memory_space<vmem>>[vector<16xi32>, vector<16xi32>], vector<16xf32>,
        %add3A_163 = arith.addf %add3A_161, %gather3A_162 : vector<16xf32>
        %gather3A_164 = tpu.vector_load_idx %arg13[%add3A_155, %broadcast_in_dim3A_15] : memref<80x16xf32, #tpu.memory_space<vmem>>[vector<16xi32>, vector<16xi32>], vector<16xf32>,
        %add3A_165 = arith.addf %add3A_163, %gather3A_164 : vector<16xf32>
        %gather3A_166 = tpu.vector_load_idx %arg13[%add3A_155, %broadcast_in_dim3A_17] : memref<80x16xf32, #tpu.memory_space<vmem>>[vector<16xi32>, vector<16xi32>], vector<16xf32>,
        %add3A_167 = arith.addf %add3A_165, %gather3A_166 : vector<16xf32>
        %gather3A_168 = tpu.vector_load_idx %arg13[%add3A_155, %broadcast_in_dim3A_19] : memref<80x16xf32, #tpu.memory_space<vmem>>[vector<16xi32>, vector<16xi32>], vector<16xf32>,
        %add3A_169 = arith.addf %add3A_167, %gather3A_168 : vector<16xf32>
        %gather3A_170 = tpu.vector_load_idx %arg13[%add3A_155, %broadcast_in_dim3A_21] : memref<80x16xf32, #tpu.memory_space<vmem>>[vector<16xi32>, vector<16xi32>], vector<16xf32>,
        %add3A_171 = arith.addf %add3A_169, %gather3A_170 : vector<16xf32>
        %gather3A_172 = tpu.vector_load_idx %arg13[%add3A_155, %broadcast_in_dim3A_23] : memref<80x16xf32, #tpu.memory_space<vmem>>[vector<16xi32>, vector<16xi32>], vector<16xf32>,
        %add3A_173 = arith.addf %add3A_171, %gather3A_172 : vector<16xf32>
        %gather3A_174 = tpu.vector_load_idx %arg13[%add3A_155, %broadcast_in_dim3A_25] : memref<80x16xf32, #tpu.memory_space<vmem>>[vector<16xi32>, vector<16xi32>], vector<16xf32>,
        %add3A_175 = arith.addf %add3A_173, %gather3A_174 : vector<16xf32>
        %gather3A_176 = tpu.vector_load_idx %arg13[%add3A_155, %broadcast_in_dim3A_27] : memref<80x16xf32, #tpu.memory_space<vmem>>[vector<16xi32>, vector<16xi32>], vector<16xf32>,
        %add3A_177 = arith.addf %add3A_175, %gather3A_176 : vector<16xf32>
        %gather3A_178 = tpu.vector_load_idx %arg13[%add3A_155, %broadcast_in_dim3A_29] : memref<80x16xf32, #tpu.memory_space<vmem>>[vector<16xi32>, vector<16xi32>], vector<16xf32>,
        %add3A_179 = arith.addf %add3A_177, %gather3A_178 : vector<16xf32>
        %gather3A_180 = tpu.vector_load_idx %arg13[%add3A_155, %broadcast_in_dim3A_31] : memref<80x16xf32, #tpu.memory_space<vmem>>[vector<16xi32>, vector<16xi32>], vector<16xf32>,
        %add3A_181 = arith.addf %add3A_179, %gather3A_180 : vector<16xf32>
        %gather3A_182 = tpu.vector_load_idx %arg13[%add3A_155, %broadcast_in_dim3A_33] : memref<80x16xf32, #tpu.memory_space<vmem>>[vector<16xi32>, vector<16xi32>], vector<16xf32>,
        %add3A_183 = arith.addf %add3A_181, %gather3A_182 : vector<16xf32>
        %gather3A_184 = tpu.vector_load_idx %arg13[%add3A_155, %broadcast_in_dim3A_35] : memref<80x16xf32, #tpu.memory_space<vmem>>[vector<16xi32>, vector<16xi32>], vector<16xf32>,
        %add3A_185 = arith.addf %add3A_183, %gather3A_184 : vector<16xf32>
        %mul3A_186 = arith.constant 16 : i32
        %mul3A_187 = arith.muli %add3A_151, %mul3A_186 : i32
        %add3A_188 = arith.addi %mul3A_136, %mul3A_187 : i32
        %swap3A = arith.index_cast %add3A_188 : i32 to index
        %swap3A_189 = tpu.vector_load %arg12[%swap3A] {strides = array<i32>} : memref<10000xf32, #tpu.memory_space<vmem>>, vector<16xf32>,
        tpu.vector_store %arg12[%swap3A], %add3A_185 {strides = array<i32>} : memref<10000xf32, #tpu.memory_space<vmem>>, vector<16xf32>,
      }
      %scan3A_146 = arith.constant 5 : i32
    }
    %scan3A_48 = arith.constant 62 : i32
    %dma_wait3A = arith.constant 9920 : i32
    %dma_wait3A_49 = tpu.memref_slice %arg6[%dma_wait3A] : memref<10000xi32, #tpu.memory_space<vmem>> -> memref<80xi32, #tpu.memory_space<vmem>>
    %dma_wait3A_50 = arith.constant 0 : i32
    %dma_wait3A_51 = arith.constant 0 : i32
    %dma_wait3A_52 = tpu.memref_slice %arg2[%dma_wait3A_50, %dma_wait3A_51] : memref<10000x128xf32, #tpu.memory_space<hbm>> -> memref<10000x128xf32, #tpu.memory_space<hbm>>
    tpu.wait_indirect_dma semaphore(%arg14 : memref<!tpu.dma_semaphore, #tpu.memory_space<semaphore_mem>>) src(%dma_wait3A_52 : memref<10000x128xf32, #tpu.memory_space<hbm>>) dst(%arg8 : memref<80x128xf32, #tpu.memory_space<vmem>>)
    %dma_wait3A_53 = arith.constant 9920 : i32
    %dma_wait3A_54 = tpu.memref_slice %arg7[%dma_wait3A_53] : memref<10000xi32, #tpu.memory_space<vmem>> -> memref<80xi32, #tpu.memory_space<vmem>>
    %dma_wait3A_55 = arith.constant 0 : i32
    %dma_wait3A_56 = arith.constant 0 : i32
    %dma_wait3A_57 = tpu.memref_slice %arg3[%dma_wait3A_55, %dma_wait3A_56] : memref<10000x128xf32, #tpu.memory_space<hbm>> -> memref<10000x128xf32, #tpu.memory_space<hbm>>
    tpu.wait_indirect_dma semaphore(%arg15 : memref<!tpu.dma_semaphore, #tpu.memory_space<semaphore_mem>>) src(%dma_wait3A_57 : memref<10000x128xf32, #tpu.memory_space<hbm>>) dst(%arg9 : memref<80x128xf32, #tpu.memory_space<vmem>>)
    %scan3A_58 = arith.constant 0 : i32
    %scan3A_59 = arith.constant 80 : i32
    %scan3A_60 = arith.addi %scan3A_58, %scan3A_59 : i32
    %scan3A_61 = arith.constant 1 : i32
    scf.for %scan3A_68 = %scan3A_58 to %scan3A_60 step %scan3A_61  : i32 {
      %mul3A_69 = arith.constant 1 : i32
      %mul3A_70 = arith.muli %scan3A_68, %mul3A_69 : i32
      %add3A_71 = arith.constant 0 : i32
      %add3A_72 = arith.addi %add3A_71, %mul3A_70 : i32
      %get3A = arith.index_cast %add3A_72 : i32 to index
      %get3A_73 = arith.constant 0 : index
      %get3A_74 = tpu.vector_load %arg8[%get3A, %get3A_73] {strides = array<i32>} : memref<80x128xf32, #tpu.memory_space<vmem>>, vector<16xf32>,
      %get3A_75 = arith.index_cast %add3A_72 : i32 to index
      %get3A_76 = arith.constant 0 : index
      %get3A_77 = tpu.vector_load %arg9[%get3A_75, %get3A_76] {strides = array<i32>} : memref<80x128xf32, #tpu.memory_space<vmem>>, vector<16xf32>,
      %mul3A_78 = arith.mulf %get3A_74, %get3A_77 : vector<16xf32>
      %get3A_79 = arith.index_cast %add3A_72 : i32 to index
      %get3A_80 = arith.constant 16 : index
      %get3A_81 = tpu.vector_load %arg8[%get3A_79, %get3A_80] {strides = array<i32>} : memref<80x128xf32, #tpu.memory_space<vmem>>, vector<16xf32>,
      %get3A_82 = arith.index_cast %add3A_72 : i32 to index
      %get3A_83 = arith.constant 16 : index
      %get3A_84 = tpu.vector_load %arg9[%get3A_82, %get3A_83] {strides = array<i32>} : memref<80x128xf32, #tpu.memory_space<vmem>>, vector<16xf32>,
      %mul3A_85 = arith.mulf %get3A_81, %get3A_84 : vector<16xf32>
      %add3A_86 = arith.addf %mul3A_78, %mul3A_85 : vector<16xf32>
      %get3A_87 = arith.index_cast %add3A_72 : i32 to index
      %get3A_88 = arith.constant 32 : index
      %get3A_89 = tpu.vector_load %arg8[%get3A_87, %get3A_88] {strides = array<i32>} : memref<80x128xf32, #tpu.memory_space<vmem>>, vector<16xf32>,
      %get3A_90 = arith.index_cast %add3A_72 : i32 to index
      %get3A_91 = arith.constant 32 : index
      %get3A_92 = tpu.vector_load %arg9[%get3A_90, %get3A_91] {strides = array<i32>} : memref<80x128xf32, #tpu.memory_space<vmem>>, vector<16xf32>,
      %mul3A_93 = arith.mulf %get3A_89, %get3A_92 : vector<16xf32>
      %add3A_94 = arith.addf %add3A_86, %mul3A_93 : vector<16xf32>
      %get3A_95 = arith.index_cast %add3A_72 : i32 to index
      %get3A_96 = arith.constant 48 : index
      %get3A_97 = tpu.vector_load %arg8[%get3A_95, %get3A_96] {strides = array<i32>} : memref<80x128xf32, #tpu.memory_space<vmem>>, vector<16xf32>,
      %get3A_98 = arith.index_cast %add3A_72 : i32 to index
      %get3A_99 = arith.constant 48 : index
      %get3A_100 = tpu.vector_load %arg9[%get3A_98, %get3A_99] {strides = array<i32>} : memref<80x128xf32, #tpu.memory_space<vmem>>, vector<16xf32>,
      %mul3A_101 = arith.mulf %get3A_97, %get3A_100 : vector<16xf32>
      %add3A_102 = arith.addf %add3A_94, %mul3A_101 : vector<16xf32>
      %get3A_103 = arith.index_cast %add3A_72 : i32 to index
      %get3A_104 = arith.constant 64 : index
      %get3A_105 = tpu.vector_load %arg8[%get3A_103, %get3A_104] {strides = array<i32>} : memref<80x128xf32, #tpu.memory_space<vmem>>, vector<16xf32>,
      %get3A_106 = arith.index_cast %add3A_72 : i32 to index
      %get3A_107 = arith.constant 64 : index
      %get3A_108 = tpu.vector_load %arg9[%get3A_106, %get3A_107] {strides = array<i32>} : memref<80x128xf32, #tpu.memory_space<vmem>>, vector<16xf32>,
      %mul3A_109 = arith.mulf %get3A_105, %get3A_108 : vector<16xf32>
      %add3A_110 = arith.addf %add3A_102, %mul3A_109 : vector<16xf32>
      %get3A_111 = arith.index_cast %add3A_72 : i32 to index
      %get3A_112 = arith.constant 80 : index
      %get3A_113 = tpu.vector_load %arg8[%get3A_111, %get3A_112] {strides = array<i32>} : memref<80x128xf32, #tpu.memory_space<vmem>>, vector<16xf32>,
      %get3A_114 = arith.index_cast %add3A_72 : i32 to index
      %get3A_115 = arith.constant 80 : index
      %get3A_116 = tpu.vector_load %arg9[%get3A_114, %get3A_115] {strides = array<i32>} : memref<80x128xf32, #tpu.memory_space<vmem>>, vector<16xf32>,
      %mul3A_117 = arith.mulf %get3A_113, %get3A_116 : vector<16xf32>
      %add3A_118 = arith.addf %add3A_110, %mul3A_117 : vector<16xf32>
      %get3A_119 = arith.index_cast %add3A_72 : i32 to index
      %get3A_120 = arith.constant 96 : index
      %get3A_121 = tpu.vector_load %arg8[%get3A_119, %get3A_120] {strides = array<i32>} : memref<80x128xf32, #tpu.memory_space<vmem>>, vector<16xf32>,
      %get3A_122 = arith.index_cast %add3A_72 : i32 to index
      %get3A_123 = arith.constant 96 : index
      %get3A_124 = tpu.vector_load %arg9[%get3A_122, %get3A_123] {strides = array<i32>} : memref<80x128xf32, #tpu.memory_space<vmem>>, vector<16xf32>,
      %mul3A_125 = arith.mulf %get3A_121, %get3A_124 : vector<16xf32>
      %add3A_126 = arith.addf %add3A_118, %mul3A_125 : vector<16xf32>
      %get3A_127 = arith.index_cast %add3A_72 : i32 to index
      %get3A_128 = arith.constant 112 : index
      %get3A_129 = tpu.vector_load %arg8[%get3A_127, %get3A_128] {strides = array<i32>} : memref<80x128xf32, #tpu.memory_space<vmem>>, vector<16xf32>,
      %get3A_130 = arith.index_cast %add3A_72 : i32 to index
      %get3A_131 = arith.constant 112 : index
      %get3A_132 = tpu.vector_load %arg9[%get3A_130, %get3A_131] {strides = array<i32>} : memref<80x128xf32, #tpu.memory_space<vmem>>, vector<16xf32>,
      %mul3A_133 = arith.mulf %get3A_129, %get3A_132 : vector<16xf32>
      %add3A_134 = arith.addf %add3A_126, %mul3A_133 : vector<16xf32>
      %swap3A = arith.index_cast %add3A_72 : i32 to index
      %swap3A_135 = arith.constant 0 : index
      %swap3A_136 = tpu.vector_load %arg13[%swap3A, %swap3A_135] {strides = array<i32>} : memref<80x16xf32, #tpu.memory_space<vmem>>, vector<16xf32>,
      tpu.vector_store %arg13[%swap3A, %swap3A_135], %add3A_134 {strides = array<i32>} : memref<80x16xf32, #tpu.memory_space<vmem>>, vector<16xf32>,
    }
    %scan3A_62 = arith.constant 80 : i32
    %scan3A_63 = arith.constant 0 : i32
    %scan3A_64 = arith.constant 5 : i32
    %scan3A_65 = arith.addi %scan3A_63, %scan3A_64 : i32
    %scan3A_66 = arith.constant 1 : i32
    scf.for %scan3A_68 = %scan3A_63 to %scan3A_65 step %scan3A_66  : i32 {
      %mul3A_69 = arith.constant 1 : i32
      %mul3A_70 = arith.muli %scan3A_68, %mul3A_69 : i32
      %add3A_71 = arith.constant 0 : i32
      %add3A_72 = arith.addi %add3A_71, %mul3A_70 : i32
      %mul3A_73 = arith.constant 16 : i32
      %mul3A_74 = arith.muli %add3A_72, %mul3A_73 : i32
      %add3A_75 = vector.broadcast %mul3A_74 : i32 to vector<16xi32>
      %add3A_76 = arith.addi %add3A_75, %iota3A : vector<16xi32>
      %gather3A = tpu.vector_load_idx %arg13[%add3A_76, %broadcast_in_dim3A_5] : memref<80x16xf32, #tpu.memory_space<vmem>>[vector<16xi32>, vector<16xi32>], vector<16xf32>,
      %gather3A_77 = tpu.vector_load_idx %arg13[%add3A_76, %broadcast_in_dim3A_7] : memref<80x16xf32, #tpu.memory_space<vmem>>[vector<16xi32>, vector<16xi32>], vector<16xf32>,
      %add3A_78 = arith.addf %gather3A, %gather3A_77 : vector<16xf32>
      %gather3A_79 = tpu.vector_load_idx %arg13[%add3A_76, %broadcast_in_dim3A_9] : memref<80x16xf32, #tpu.memory_space<vmem>>[vector<16xi32>, vector<16xi32>], vector<16xf32>,
      %add3A_80 = arith.addf %add3A_78, %gather3A_79 : vector<16xf32>
      %gather3A_81 = tpu.vector_load_idx %arg13[%add3A_76, %broadcast_in_dim3A_11] : memref<80x16xf32, #tpu.memory_space<vmem>>[vector<16xi32>, vector<16xi32>], vector<16xf32>,
      %add3A_82 = arith.addf %add3A_80, %gather3A_81 : vector<16xf32>
      %gather3A_83 = tpu.vector_load_idx %arg13[%add3A_76, %broadcast_in_dim3A_13] : memref<80x16xf32, #tpu.memory_space<vmem>>[vector<16xi32>, vector<16xi32>], vector<16xf32>,
      %add3A_84 = arith.addf %add3A_82, %gather3A_83 : vector<16xf32>
      %gather3A_85 = tpu.vector_load_idx %arg13[%add3A_76, %broadcast_in_dim3A_15] : memref<80x16xf32, #tpu.memory_space<vmem>>[vector<16xi32>, vector<16xi32>], vector<16xf32>,
      %add3A_86 = arith.addf %add3A_84, %gather3A_85 : vector<16xf32>
      %gather3A_87 = tpu.vector_load_idx %arg13[%add3A_76, %broadcast_in_dim3A_17] : memref<80x16xf32, #tpu.memory_space<vmem>>[vector<16xi32>, vector<16xi32>], vector<16xf32>,
      %add3A_88 = arith.addf %add3A_86, %gather3A_87 : vector<16xf32>
      %gather3A_89 = tpu.vector_load_idx %arg13[%add3A_76, %broadcast_in_dim3A_19] : memref<80x16xf32, #tpu.memory_space<vmem>>[vector<16xi32>, vector<16xi32>], vector<16xf32>,
      %add3A_90 = arith.addf %add3A_88, %gather3A_89 : vector<16xf32>
      %gather3A_91 = tpu.vector_load_idx %arg13[%add3A_76, %broadcast_in_dim3A_21] : memref<80x16xf32, #tpu.memory_space<vmem>>[vector<16xi32>, vector<16xi32>], vector<16xf32>,
      %add3A_92 = arith.addf %add3A_90, %gather3A_91 : vector<16xf32>
      %gather3A_93 = tpu.vector_load_idx %arg13[%add3A_76, %broadcast_in_dim3A_23] : memref<80x16xf32, #tpu.memory_space<vmem>>[vector<16xi32>, vector<16xi32>], vector<16xf32>,
      %add3A_94 = arith.addf %add3A_92, %gather3A_93 : vector<16xf32>
      %gather3A_95 = tpu.vector_load_idx %arg13[%add3A_76, %broadcast_in_dim3A_25] : memref<80x16xf32, #tpu.memory_space<vmem>>[vector<16xi32>, vector<16xi32>], vector<16xf32>,
      %add3A_96 = arith.addf %add3A_94, %gather3A_95 : vector<16xf32>
      %gather3A_97 = tpu.vector_load_idx %arg13[%add3A_76, %broadcast_in_dim3A_27] : memref<80x16xf32, #tpu.memory_space<vmem>>[vector<16xi32>, vector<16xi32>], vector<16xf32>,
      %add3A_98 = arith.addf %add3A_96, %gather3A_97 : vector<16xf32>
      %gather3A_99 = tpu.vector_load_idx %arg13[%add3A_76, %broadcast_in_dim3A_29] : memref<80x16xf32, #tpu.memory_space<vmem>>[vector<16xi32>, vector<16xi32>], vector<16xf32>,
      %add3A_100 = arith.addf %add3A_98, %gather3A_99 : vector<16xf32>
      %gather3A_101 = tpu.vector_load_idx %arg13[%add3A_76, %broadcast_in_dim3A_31] : memref<80x16xf32, #tpu.memory_space<vmem>>[vector<16xi32>, vector<16xi32>], vector<16xf32>,
      %add3A_102 = arith.addf %add3A_100, %gather3A_101 : vector<16xf32>
      %gather3A_103 = tpu.vector_load_idx %arg13[%add3A_76, %broadcast_in_dim3A_33] : memref<80x16xf32, #tpu.memory_space<vmem>>[vector<16xi32>, vector<16xi32>], vector<16xf32>,
      %add3A_104 = arith.addf %add3A_102, %gather3A_103 : vector<16xf32>
      %gather3A_105 = tpu.vector_load_idx %arg13[%add3A_76, %broadcast_in_dim3A_35] : memref<80x16xf32, #tpu.memory_space<vmem>>[vector<16xi32>, vector<16xi32>], vector<16xf32>,
      %add3A_106 = arith.addf %add3A_104, %gather3A_105 : vector<16xf32>
      %mul3A_107 = arith.constant 16 : i32
      %mul3A_108 = arith.muli %add3A_72, %mul3A_107 : i32
      %add3A_109 = arith.constant 9920 : i32
      %add3A_110 = arith.addi %add3A_109, %mul3A_108 : i32
      %swap3A = arith.index_cast %add3A_110 : i32 to index
      %swap3A_111 = tpu.vector_load %arg12[%swap3A] {strides = array<i32>} : memref<10000xf32, #tpu.memory_space<vmem>>, vector<16xf32>,
      tpu.vector_store %arg12[%swap3A], %add3A_106 {strides = array<i32>} : memref<10000xf32, #tpu.memory_space<vmem>>, vector<16xf32>,
    }
    %scan3A_67 = arith.constant 5 : i32
    "tpu.region"() ({
      %run_scoped3A = tpu.sem_alloc : memref<!tpu.dma_semaphore, #tpu.memory_space<semaphore_mem>>
      %dma_start3A_68 = tpu.memref_slice %arg5[%mul3A_2] : memref<320000xf32, #tpu.memory_space<hbm>> -> memref<10000xf32, #tpu.memory_space<hbm>>
      %dma_start3A_69 = tpu.memref_slice %arg5[%mul3A_2] : memref<320000xf32, #tpu.memory_space<hbm>> -> memref<10000xf32, #tpu.memory_space<hbm>>
      tpu.enqueue_dma source(%arg12 : memref<10000xf32, #tpu.memory_space<vmem>>) target(%dma_start3A_69 : memref<10000xf32, #tpu.memory_space<hbm>>) target_semaphore(%run_scoped3A : memref<!tpu.dma_semaphore, #tpu.memory_space<semaphore_mem>>)
      %dma_wait3A_70 = tpu.memref_slice %arg5[%mul3A_2] : memref<320000xf32, #tpu.memory_space<hbm>> -> memref<10000xf32, #tpu.memory_space<hbm>>
      %dma_wait3A_71 = tpu.memref_slice %arg5[%mul3A_2] : memref<320000xf32, #tpu.memory_space<hbm>> -> memref<10000xf32, #tpu.memory_space<hbm>>
      tpu.wait_dma2 semaphore(%run_scoped3A : memref<!tpu.dma_semaphore, #tpu.memory_space<semaphore_mem>>) src(%arg12 : memref<10000xf32, #tpu.memory_space<vmem>>) dst(%dma_wait3A_71 : memref<10000xf32, #tpu.memory_space<hbm>>)
      tpu.yield
    }) : () -> ()
    return
  }
}

</mosaic_0001>

<sc_bundles>
// kernel: kernel.3.cloned.1.call-start
scs
__scs_entry_jumppad:
0x0: {  	(pc) =	sbr.rel $0x88, $3  }
0x1: {  	(tag) =	ssettag $0x0;
	lr =	simm.s32 $0x1  }
0x2: {  	[smem:$0x3F9E] =	sst lr;
	_ =	strace $0xD0000000  }
0x3: {  	_ = 	snop  }
0x4: {  	_ = 	snop  }
0x5: {  	_ = 	snop  }
0x6: {  	_ = 	snop  }
0x7: {  	_ = 	snop  }
__scs_overlays_trampoline_lowered:
0x8: {  	[smem:$0x3FAD] =	sst s0  }
0x9: {  	[smem:$0x3FAE] =	sst s1  }
0xa: {  	[smem:$0x3FAF] =	sst s2  }
0xb: {  	[smem:$0x3FB0] =	sst s3  }
0xc: {  	[smem:$0x3FB1] =	sst s4  }
0xd: {  	[smem:$0x3FB2] =	sst s5  }
0xe: {  	[smem:$0x3FB3] =	sst s6  }
0xf: {  	[smem:$0x3FB4] =	sst s7  }
0x10: {  	[smem:$0x3FB5] =	sst s8  }
0x11: {  	[smem:$0x3FB6] =	sst s9;
	s0 =	simm.s32 @!p0 $0x0  }
0x12: {  	s1 =	sld [smem:$0x3F9C];
	s0 =	simm.s32 @p0 $0x1  }
0x13: {  	[smem:$0x3FB7] =	sst s0;
	s0 =	simm.s32 @!p1 $0x0  }
0x14: {  	s2 =	sld [smem:$0x3F9B];
	s0 =	simm.s32 @p1 $0x1  }
0x15: {  	[smem:$0x3FB8] =	sst s0;
	s0 =	simm.s32 @!p2 $0x0  }
0x16: {  	s3 =	sld [smem:$0x3FDB];
	s0 =	simm.s32 @p2 $0x1  }
0x17: {  	s4 =	simm.s32 $0x1BF5;
	[smem:$0x3FBA] =	sst s0  }
0x18: {  	s0 =	sld [smem:$0x3F9D];
	_ =	swait.ge [sflag:s4], $0x0  }
0x19: {  	s7 =	sld [smem:$0x3F9E]  }
0x1a: {  	s8 =	sadd.s32 $0xFFFFE003, lr  }
0x1b: {  	s9 =	sadd.s32 $0xFFFFFEF7, lr;
	s5 =	simm.s32 $0xFFFFFFFF;
	p2 =	slt.u32 s8, $0xFFFFF086  }
0x1c: {  	p1 =	slt.u32 s9, $0xF7A;
	s5 =	simm.s32 @!p2 $0x0  }
0x1d: {  	s5 =	simm.s32 @p1 $0x1;
	p0 =	seq.s32 s7, s2  }
0x1e: {  	s7 =	smul.u32 @!p0 $0xF7A, s2;
	p2 =	seq.s32 @!p0 s5, $0x0  }
0x1f: {  	s9 =	smul.u32 $0xF7A, s1;
	s8 =	simm.s32 @!p0 $0x1BF5;
	p2 =	por !p2, p0  }
0x20: {  	[sflag:s8] =	ssyncset.s32 @!p0 $0xFFFFF086;
	s6 =	sadd.s32 @!p0 s3, s7;
	s7 =	simm.s32 @!p0 $0x108  }
0x21: {  	s3 =	sadd.s32 s3, s9;
	s6 =	sadd.s32 @!p0 $0x88, s6;
	s7 =	simm.s32 @p2 $0x1082  }
0x22: {  	[simem:s7], [sflag:s8] =	dma.local @!p0 [hbm:s6], $0xF7A  }
0x23: {  	s9 =	sor.u32 $0xD0000000, s2;
	s6 =	simm.s32 $0x108;
	_ =	swait.ge @!p0 [sflag:s8], $0x0  }
0x24: {  	s3 =	sadd.s32 $0x88, s3;
	s6 =	simm.s32 @!p1 $0x1082;
	[sflag:s4] =	ssyncset.s32 $0xFFFFF086  }
0x25: {  	[simem:s6], [sflag:s4] =	dma.local [hbm:s3], $0xF7A  }
0x26: {  	[smem:$0x3F9E] =	sst s1;
	(tag) =	ssettag s2;
	_ =	strace s9  }
0x27: {  	s1 =	sld [smem:$0x3FAE]  }
0x28: {  	s2 =	sld [smem:$0x3FAF]  }
0x29: {  	s4 =	sld [smem:$0x3FB1]  }
0x2a: {  	p0 =	seq.s32 s5, $0x0;
	s5 =	sld [smem:$0x3FB2]  }
0x2b: {  	s6 =	sld [smem:$0x3FB3]  }
0x2c: {  	s7 =	sld [smem:$0x3FB4]  }
0x2d: {  	s3 =	simm.s32 $0x108;
	s8 =	sld [smem:$0x3FB5]  }
0x2e: {  	s3 =	simm.s32 @!p0 $0x1082;
	s9 =	sld [smem:$0x3FB6]  }
0x2f: {  	lr =	sadd.s32 s0, s3;
	s0 =	sld [smem:$0x3FAD]  }
0x30: {  	s3 =	sld [smem:$0x3FB0]  }
0x31: {  	[smem:$0x3FB9] =	sst s10  }
0x32: {  	s10 =	sld [smem:$0x3FB7];
	_ =	sdelay $0x3  }
0x33: {  	p0 =	seq.s32 s10, $0x1;
	s10 =	sld [smem:$0x3FB9];
	_ =	sdelay $0x3  }
0x34: {  	[smem:$0x3FB9] =	sst s10  }
0x35: {  	s10 =	sld [smem:$0x3FB8];
	_ =	sdelay $0x3  }
0x36: {  	p1 =	seq.s32 s10, $0x1;
	s10 =	sld [smem:$0x3FB9];
	_ =	sdelay $0x3  }
0x37: {  	[smem:$0x3FB9] =	sst s10  }
0x38: {  	s10 =	sld [smem:$0x3FBA]  }
0x39: {  	_ = 	snop;
	(pc) =	sbr.ind lr, $3  }
0x3a: {  	_ = 	snop  }
0x3b: {  	_ = 	snop  }
0x3c: {  	p2 =	seq.s32 s10, $0x1;
	s10 =	sld [smem:$0x3FB9]  }
0x3d: {  	_ =	shalt  }
0x3e: {  	_ =	shalt  }
0x3f: {  	_ =	shalt  }
0x40: {  	_ =	shalt  }
0x41: {  	_ =	shalt  }
0x42: {  	_ =	shalt  }
0x43: {  	_ =	shalt  }
0x44: {  	_ =	shalt  }
0x45: {  	_ =	shalt  }
0x46: {  	_ =	shalt  }
0x47: {  	_ =	shalt  }
0x48: {  	_ =	shalt  }
0x49: {  	_ =	shalt  }
0x4a: {  	_ =	shalt  }
0x4b: {  	_ =	shalt  }
0x4c: {  	_ =	shalt  }
0x4d: {  	_ =	shalt  }
0x4e: {  	_ =	shalt  }
0x4f: {  	_ =	shalt  }
0x50: {  	_ =	shalt  }
0x51: {  	_ =	shalt  }
0x52: {  	_ =	shalt  }
0x53: {  	_ =	shalt  }
0x54: {  	_ =	shalt  }
0x55: {  	_ =	shalt  }
0x56: {  	_ =	shalt  }
0x57: {  	_ =	shalt  }
0x58: {  	_ =	shalt  }
0x59: {  	_ =	shalt  }
0x5a: {  	_ =	shalt  }
0x5b: {  	_ =	shalt  }
0x5c: {  	_ =	shalt  }
0x5d: {  	_ =	shalt  }
0x5e: {  	_ =	shalt  }
0x5f: {  	_ =	shalt  }
0x60: {  	_ =	shalt  }
0x61: {  	_ =	shalt  }
0x62: {  	_ =	shalt  }
0x63: {  	_ =	shalt  }
0x64: {  	_ =	shalt  }
0x65: {  	_ =	shalt  }
0x66: {  	_ =	shalt  }
0x67: {  	_ =	shalt  }
0x68: {  	_ =	shalt  }
0x69: {  	_ =	shalt  }
0x6a: {  	_ =	shalt  }
0x6b: {  	_ =	shalt  }
0x6c: {  	_ =	shalt  }
0x6d: {  	_ =	shalt  }
0x6e: {  	_ =	shalt  }
0x6f: {  	_ =	shalt  }
0x70: {  	_ =	shalt  }
0x71: {  	_ =	shalt  }
0x72: {  	_ =	shalt  }
0x73: {  	_ =	shalt  }
0x74: {  	_ =	shalt  }
0x75: {  	_ =	shalt  }
0x76: {  	_ =	shalt  }
0x77: {  	_ =	shalt  }
0x78: {  	_ =	shalt  }
0x79: {  	_ =	shalt  }
0x7a: {  	_ =	shalt  }
0x7b: {  	_ =	shalt  }
0x7c: {  	_ =	shalt  }
0x7d: {  	_ =	shalt  }
0x7e: {  	_ =	shalt  }
0x7f: {  	_ =	shalt  }
0x80: {  	_ =	shalt  }
0x81: {  	_ =	shalt  }
0x82: {  	_ =	shalt  }
0x83: {  	_ =	shalt  }
0x84: {  	_ =	shalt  }
0x85: {  	_ =	shalt  }
0x86: {  	_ =	shalt  }
0x87: {  	_ =	shalt  }
.Lfunc_end0:
.L_simem_size_0:
called_computation_lowered:
.L_overlay_start_0:
0x88: {  	s2 =	sld [smem:$0x3FD9]  }
0x89: {  	s3 =	sld [smem:$0x3FFE];
	_ =	sdelay $0x1  }
0x8a: {  	s1 =	srdreg.scid  }
0x8b: {  	s0 =	sand.u32 $0x1, s1  }
0x8c: {  	s17 =	sshll.u32 s0, $0xA;
	s2 =	sadd.s32 s3, s2  }
0x8d: {  	s2 =	sadd.s32 s2, s17  }
0x8e: {  	[smem:$0x3FC5] =	sst s2  }
0x8f: {  	_ = 	snop  }
0x90: {  	s2 =	sld [smem:$0x3FC9]  }
0x91: {  	s18 =	sld [smem:$0x3FC8]  }
0x92: {  	s4 =	sld [smem:$0x3FD0];
	(tm) =	ssettm $0x1  }
0x93: {  	s5 =	sld [smem:$0x3FFB];
	_ =	sdelay $0x3  }
0x94: {  	_ =	strace s5  }
0x95: {  	s5 =	sld [smem:$0x3FFC];
	_ =	sdelay $0x3  }
0x96: {  	_ =	strace s5  }
0x97: {  	s5 =	sld [smem:$0x3FFD];
	_ =	sdelay $0x3  }
0x98: {  	_ =	strace s5  }
0x99: {  	_ =	strace $0x8FFFFFFF  }
0x9a: {  	s19 =	sld [smem:$0x3FDB];
	_ =	sdelay $0x1  }
0x9b: {  	s6 =	simm.s32 $_scs_section_size  }
0x9c: {  	s7 =	simm.s32 $_size__tile_overlayer_lowered;
	s8 =	simm.s32 $_tile_overlayer_lowered  }
0x9d: {  	s22 =	simm.s32 $0x1BFF;
	s21 =	sshll.u32 s8, $0x1;
	s5 =	sadd.s32 s6, s19  }
0x9e: {  	s9 =	simm.s32 $0x0;
	s20 =	sshll.u32 s7, $0x1;
	s7 =	sadd.s32 s21, s5  }
0x9f: {  	[timem:s9], [sflag:s22] =	dma.local [hbm:s7], s20  }
0xa0: {  	_ =	swait.ge [sflag:s22], s20  }
0xa1: {  	s6 =	ssub.s32 $0x0, s20;
	[sflag:s22] =	ssyncset.done $0x0  }
0xa2: {  	[sflag:s22] =	ssyncadd.s32 s6;
	_ =	sdelay $0x1  }
0xa3: {  	s23 =	simm.s32 $0x1B8B  }
0xa4: {  	_ =	swait.ge [sflag:s23], $0x1  }
0xa5: {  	[sflag:s23] =	ssyncset.done $0x0  }
0xa6: {  	s25 =	simm.s32 $0x1B8E;
	s24 =	sld [smem:$0x3FFE];
	[sflag:s23] =	ssyncadd.s32 $0xFFFFFFFF  }
0xa7: {  	s26 =	simm.s32 $execute0_lowered;
	[smem:$0x3FD2] =	sst s25  }
0xa8: {  	s7 =	sshll.u32 s26, $0x1;
	_ =	strace $0x80000046;
	[dreg:$0x1] =	wrdreg $0xFFFFFFFF  }
0xa9: {  	s28 =	simm.s32 $_size_execute0_lowered;
	s5 =	sadd.s32 s5, s7;
	[dreg:$0x0] =	wrdreg $0x0  }
0xaa: {  	s7 =	sshll.u32 s28, $0x1;
	[dreg:$0x2] =	wrdreg s5  }
0xab: {  	[dreg:$0x3] =	wrdreg s7  }
0xac: {  	[dreg:$0x4] =	wrdreg $0xC0  }
0xad: {  	_ =	task [dreg:s9], $0x5FFFF  }
0xae: {  	[dreg:$0x1] =	wrdreg $0xFFFFFFFF  }
0xaf: {  	[dreg:$0x0] =	wrdreg $0x60  }
0xb0: {  	[dreg:$0x2] =	wrdreg s2  }
0xb1: {  	[dreg:$0x3] =	wrdreg s18  }
0xb2: {  	[dreg:$0x4] =	wrdreg s24  }
0xb3: {  	[dreg:$0x5] =	wrdreg s4  }
0xb4: {  	[dreg:$0x6] =	wrdreg $0x9  }
0xb5: {  	_ =	task.clear_ibuf [dreg:s9], $0x7FFFF;
	_ =	strace $0x90000046  }
0xb6: {  	s29 =	simm.s32 $0x9;
	_ =	strace $0x80000048  }
0xb7: {  	_ =	swait.ge [sflag:s29], $0x1  }
0xb8: {  	[sflag:s29] =	ssyncadd.s32 $0xFFFFFFFF  }
0xb9: {  	_ =	strace $0x90000048  }
0xba: {  	_ =	sfence  }
0xbb: {  	s30 =	sld [smem:$0x0];
	_ =	sdelay $0x2  }
0xbc: {  	s31 =	sshll.u32 s1, $0xD;
	s1 =	sshrl.u32 s1, $0x2  }
0xbd: {  	s3 =	sand.u32 $0x4000, s31;
	s1 =	sadd.s32 s1, s30  }
0xbe: {  	s0 =	sor.u32 s3, s0;
	s1 =	sshll.u32 s1, $0x11  }
0xbf: {  	s0 =	sor.u32 s1, s0  }
0xc0: {  	s0 =	sadd.s32 $0x8F2B, s0  }
0xc1: {  	[sflag:s0] =	ssyncadd.remote.s32 $0x1  }
0xc2: {  	_ =	sfence.sel $0xFFFF  }
0xc3: {  	[dreg:$0x0] =	wrdreg $0xFFFFFFFF;
	(pc) =	sbr.abs _section_cstart, $3  }
0xc4: {  	[dreg:$0x1] =	wrdreg $0xFFFFFFFF  }
0xc5: {  	_ =	task.clear_ibuf [dreg:s9], $0x2FFFF;
	_ =	strace $0x9FFFFFFF  }
0xc6: {  	(tm) =	ssettm $0x7FFFFFFF  }
0xc7: {  	_ =	shalt  }
tec
execute0_lowered:
.L_overlay_start_1:
0x0: {  	(tag) =	ssettag $0x1  }
0x1: {  	s1 =	rddreg [dreg:$0x0]  }
0x2: {  	s2 =	rddreg [dreg:$0x1]  }
0x3: {  	s3 =	srdreg.scid;
	s6 =	rddreg [dreg:$0x2]  }
0x4: {  	s0 =	stileid.u32;
	s7 =	rddreg [dreg:$0x3];
	s4 =	simm.s32 $0x0  }
0x5: {  	s10 =	simm.s32 $0x2780;
	s11 =	simm.s32 $0x50;
	s12 =	simm.s32 $0x4F00  }
0x6: {  	s13 =	simm.s32 $0x7700;
	s14 =	simm.s32 $0x9F00;
	s15 =	simm.s32 $0xC700  }
0x7: {  	s16 =	simm.s32 $0x1;
	s17 =	simm.s32 $0x2;
	s18 =	simm.s32 $0x11680  }
0x8: {  	s19 =	simm.s32 $0x3;
	s5 =	sand.u32 $0x1, s3;
	s31 =	sshll.u32 s0, $0x1  }
0x9: {  	s20 =	simm.s32 $0x4;
	s21 =	simm.s32 $0xEF00;
	s3 =	sor.u32 s5, s31  }
0xa: {  	[smem:$0x7FF] =	sst s4;
	s5 =	ssub.s32 $0x2, s5;
	s8 =	smul.u32 $0x2710, s3  }
0xb: {  	s22 =	simm.s32 $0x0;
	s3 =	rddreg [dreg:$0x4];
	s9 =	sshrl.u32 s5, $0x1  }
0xc: {  	v0 =	vlaneseq.u32;
	_ =	strace $0x80000047;
	s9 =	ssub.s32 s5, s9;
	s8 =	sshrl.u32 s8, $0x3  }
0xd: {  	v0 =	vmul.u32 $0x80, v0;
	s6 =	sadd.s32 s8, s6;
	s7 =	sadd.s32 s7, s8;
	s8 =	smax.u32 s9, $0x1  }
0xe: {  	s9 =	simm.s32 $0x5;
	s5 =	sadd.s32 $0x400, s6;
	s6 =	sadd.s32 $0xA040, s6  }
.LBB2_1:
0xf: {  	[tilespmem:s4], [sflag:$0x5] =	stream.linear.gather [hbm4b:s5+s4], $0x2710, $0x38;
	[tilespmem:$0x13E80] =	vst v63  }
0x10: {  	_ =	swait.ge [sflag:s9], $0x2710  }
0x11: {  	[sflag:s9] =	ssyncset.done $0x0  }
0x12: {  	[sflag:s9] =	ssyncadd.s32 $0xFFFFD8F0  }
0x13: {  	[tilespmem:s10], [sflag:$0x5] =	stream.linear.gather [hbm4b:s6+s4], $0x2710, $0x38;
	[tilespmem:$0x13E80] =	vst v63  }
0x14: {  	_ =	swait.ge [sflag:s9], $0x2710  }
0x15: {  	[sflag:s9] =	ssyncset.done $0x0  }
0x16: {  	[sflag:s9] =	ssyncadd.s32 $0xFFFFD8F0  }
0x17: {  	[tilespmem:s12], [sflag:$0x1] =	stream.indirect.gather [hbm4b:s1+s11], $0x80, s4, s11, $0xb8;
	[tilespmem:$0x13E80] =	vst v63  }
0x18: {  	s23 =	simm.s32 $0xEF50;
	s24 =	simm.s32 $0xEF00;
	s25 =	simm.s32 $0x0  }
0x19: {  	[tilespmem:s13], [sflag:$0x2] =	stream.indirect.gather [hbm4b:s2+s11], $0x80, s10, s11, $0xb8;
	[tilespmem:$0x13E80] =	vst v63  }
.LBB2_2:
0x1a: {  	s26 =	smul.u32 $0xA0, s25;
	_ =	sdelay $0x1  }
0x1b: {  	s28 =	sadd.s32 $0x50, s26  }
0x1c: {  	[tilespmem:s14], [sflag:$0x3] =	stream.indirect.gather [hbm4b:s1+s11], $0x80, s28, s11, $0xb8;
	[tilespmem:$0x13E80] =	vst v63  }
0x1d: {  	s28 =	sadd.s32 $0x27D0, s26  }
0x1e: {  	[tilespmem:s15], [sflag:$0x4] =	stream.indirect.gather [hbm4b:s2+s11], $0x80, s28, s11, $0xb8;
	[tilespmem:$0x13E80] =	vst v63  }
0x1f: {  	_ =	swait.ge [sflag:s16], $0x2800  }
0x20: {  	[sflag:s16] =	ssyncset.done $0x0  }
0x21: {  	[sflag:s16] =	ssyncadd.s32 $0xFFFFD800  }
0x22: {  	_ =	swait.ge [sflag:s17], $0x2800  }
0x23: {  	[sflag:s17] =	ssyncset.done $0x0  }
0x24: {  	s28 =	simm.s32 $0x0;
	[sflag:s17] =	ssyncadd.s32 $0xFFFFD800  }
0x25: {  	v1 =	vld [tilespmem:s28+$0x4F00]  }
0x26: {  	v2 =	vld [tilespmem:s28+$0x7700]  }
0x27: {  	v3 =	vld [tilespmem:s28+$0x4F10]  }
0x28: {  	v4 =	vld [tilespmem:s28+$0x7710]  }
0x29: {  	v5 =	vld [tilespmem:s28+$0x4F20]  }
0x2a: {  	v6 =	vld [tilespmem:s28+$0x7720]  }
0x2b: {  	v7 =	vld [tilespmem:s28+$0x4F30]  }
0x2c: {  	v8 =	vld [tilespmem:s28+$0x7730]  }
0x2d: {  	v1 =	vmul.f32 v2, v1;
	v2 =	vmul.f32 v4, v3;
	v3 =	vld [tilespmem:s28+$0x4F40]  }
0x2e: {  	v4 =	vld [tilespmem:s28+$0x7740]  }
0x2f: {  	v9 =	vld [tilespmem:s28+$0x7750];
	v1 =	vadd.f32 v2, v1;
	v2 =	vmul.f32 v6, v5  }
0x30: {  	v6 =	vld [tilespmem:s28+$0x4F50]  }
0x31: {  	v1 =	vadd.f32 v2, v1;
	v2 =	vmul.f32 v8, v7;
	v7 =	vld [tilespmem:s28+$0x4F60]  }
0x32: {  	v8 =	vld [tilespmem:s28+$0x7760]  }
0x33: {  	v5 =	vld [tilespmem:s28+$0x7770];
	v3 =	vmul.f32 v4, v3;
	v10 =	vadd.f32 v2, v1  }
0x34: {  	s30 =	simm.s32 $0x80;
	v2 =	vld [tilespmem:s28+$0x4F70]  }
0x35: {  	v4 =	vld [tilespmem:s30+$0x4F10];
	v6 =	vmul.f32 v9, v6;
	v10 =	vadd.f32 v3, v10  }
0x36: {  	v1 =	vld [tilespmem:s30+$0x4F00]  }
0x37: {  	s29 =	simm.s32 $0x0;
	s31 =	simm.s32 $0x400;
	v3 =	vld [tilespmem:s30+$0x7700];
	v7 =	vmul.f32 v8, v7;
	v6 =	vadd.f32 v6, v10  }
.LBB2_3:
0x38: {  	p0 =	sne.s32 s31, $0x9E00;
	v8 =	vld [tilespmem:s30+$0x7710]  }
0x39: {  	v9 =	vld [tilespmem:s30+$0x4F20];
	v6 =	vadd.f32 v7, v6;
	v2 =	vmul.f32 v5, v2  }
0x3a: {  	v5 =	vld [tilespmem:s30+$0x7720]  }
0x3b: {  	v7 =	vld [tilespmem:s30+$0x4F30];
	v2 =	vadd.f32 v2, v6  }
0x3c: {  	v6 =	vld [tilespmem:s30+$0x7730]  }
0x3d: {  	v1 =	vmul.f32 v3, v1;
	v3 =	vmul.f32 v8, v4;
	v4 =	vld [tilespmem:s30+$0x4F40];
	[tilespmem:s28+$0x11680] =	vst v2;
	s28 =	smov.u32 s30  }
0x3e: {  	v2 =	vld [tilespmem:s28+$0x7740]  }
0x3f: {  	v1 =	vadd.f32 v3, v1;
	v3 =	vmul.f32 v5, v9;
	v8 =	vld [tilespmem:s28+$0x4F50]  }
0x40: {  	v9 =	vld [tilespmem:s28+$0x7750]  }
0x41: {  	v1 =	vadd.f32 v3, v1;
	v3 =	vmul.f32 v6, v7;
	v7 =	vld [tilespmem:s28+$0x4F60]  }
0x42: {  	v10 =	vld [tilespmem:s28+$0x7760]  }
.Ltmp0:
0x43: {  	v3 =	vadd.f32 v3, v1;
	v4 =	vmul.f32 v2, v4;
	v2 =	vld [tilespmem:s28+$0x4F70];
	(pc) =	sbr.rel @p0 .LBB2_3-.Ltmp0, $4  }
0x44: {  	s30 =	sshra.s32 s31, $0x2;
	v5 =	vld [tilespmem:s28+$0x7770]  }
0x45: {  	v1 =	vld [tilespmem:s30+$0x4F00];
	v6 =	vadd.f32 v4, v3;
	v8 =	vmul.f32 v9, v8  }
0x46: {  	v3 =	vld [tilespmem:s30+$0x7700]  }
0x47: {  	s31 =	sadd.s32 $0x200, s31;
	v4 =	vld [tilespmem:s30+$0x4F10];
	v6 =	vadd.f32 v8, v6;
	v7 =	vmul.f32 v10, v7  }
0x48: {  	v8 =	vld [tilespmem:s30+$0x7710]  }
0x49: {  	v9 =	vld [tilespmem:s30+$0x4F20];
	v6 =	vadd.f32 v7, v6;
	v2 =	vmul.f32 v5, v2  }
0x4a: {  	v5 =	vld [tilespmem:s30+$0x7720]  }
0x4b: {  	v7 =	vld [tilespmem:s30+$0x4F30];
	v2 =	vadd.f32 v2, v6  }
0x4c: {  	v6 =	vld [tilespmem:s30+$0x7730]  }
0x4d: {  	v10 =	vld [tilespmem:s30+$0x4F40];
	v1 =	vmul.f32 v3, v1;
	v3 =	vmul.f32 v8, v4;
	[tilespmem:s28+$0x11680] =	vst v2  }
0x4e: {  	v2 =	vld [tilespmem:s30+$0x7740]  }
0x4f: {  	v4 =	vld [tilespmem:s30+$0x4F50];
	v1 =	vadd.f32 v3, v1;
	v3 =	vmul.f32 v5, v9  }
0x50: {  	v5 =	vld [tilespmem:s30+$0x7750]  }
0x51: {  	v1 =	vadd.f32 v3, v1;
	v3 =	vmul.f32 v6, v7;
	v6 =	vld [tilespmem:s30+$0x4F60]  }
0x52: {  	v7 =	vld [tilespmem:s30+$0x7760]  }
0x53: {  	v57 =	vld [tilespmem:s30+$0x7770];
	v1 =	vadd.f32 v3, v1;
	v2 =	vmul.f32 v2, v10  }
0x54: {  	v3 =	vld [tilespmem:s30+$0x4F70]  }
0x55: {  	v1 =	vadd.f32 v2, v1;
	v2 =	vmul.f32 v5, v4  }
0x56: {  	v4 =	vmov s29  }
0x57: {  	v4 =	vshll.u32 v4, $0x7;
	v1 =	vadd.f32 v2, v1;
	v2 =	vmul.f32 v7, v6  }
0x58: {  	v4 =	vor.u32 v0, v4  }
0x59: {  	v1 =	vadd.f32 v2, v1;
	v2 =	vmul.f32 v57, v3;
	v3 =	vor.u32 $0x1, v4;
	_ =	sdelay $0x1  }
0x5a: {  	v1 =	vadd.f32 v2, v1  }
0x5b: {  	v2 =	vor.u32 $0x2, v4  }
0x5c: {  	[tilespmem:s30+$0x11680] =	vst v1  }
0x5d: {  	v1 =	vld.idx.msk [tilespmem:v3+s18+$0x0], $0xffff;
	v3 =	vor.u32 $0x3, v4  }
0x5e: {  	v5 =	vld.idx.msk [tilespmem:v4+s18+$0x0], $0xffff  }
0x5f: {  	v6 =	vor.u32 $0x4, v4  }
0x60: {  	v2 =	vld.idx.msk [tilespmem:v2+s18+$0x0], $0xffff  }
0x61: {  	v7 =	vor.u32 $0x5, v4  }
0x62: {  	v3 =	vld.idx.msk [tilespmem:v3+s18+$0x0], $0xffff  }
0x63: {  	v58 =	vor.u32 $0x6, v4;
	v1 =	vadd.f32 v1, v5  }
0x64: {  	v5 =	vld.idx.msk [tilespmem:v6+s18+$0x0], $0xffff  }
0x65: {  	v6 =	vor.u32 $0x7, v4;
	v1 =	vadd.f32 v2, v1  }
0x66: {  	v2 =	vld.idx.msk [tilespmem:v7+s18+$0x0], $0xffff  }
0x67: {  	v7 =	vor.u32 $0x8, v4;
	v1 =	vadd.f32 v3, v1  }
0x68: {  	v3 =	vld.idx.msk [tilespmem:v58+s18+$0x0], $0xffff  }
0x69: {  	v59 =	vor.u32 $0x9, v4;
	v1 =	vadd.f32 v5, v1  }
0x6a: {  	v5 =	vld.idx.msk [tilespmem:v6+s18+$0x0], $0xffff  }
0x6b: {  	v6 =	vor.u32 $0xA, v4;
	v1 =	vadd.f32 v2, v1  }
0x6c: {  	v2 =	vld.idx.msk [tilespmem:v7+s18+$0x0], $0xffff  }
0x6d: {  	v7 =	vor.u32 $0xB, v4;
	v1 =	vadd.f32 v3, v1  }
0x6e: {  	v3 =	vld.idx.msk [tilespmem:v59+s18+$0x0], $0xffff  }
0x6f: {  	v60 =	vor.u32 $0xC, v4;
	v1 =	vadd.f32 v5, v1  }
0x70: {  	v5 =	vld.idx.msk [tilespmem:v6+s18+$0x0], $0xffff  }
0x71: {  	v6 =	vor.u32 $0xD, v4;
	v1 =	vadd.f32 v2, v1  }
0x72: {  	v2 =	vld.idx.msk [tilespmem:v7+s18+$0x0], $0xffff  }
0x73: {  	v7 =	vor.u32 $0xE, v4;
	v1 =	vadd.f32 v3, v1  }
0x74: {  	v3 =	vld.idx.msk [tilespmem:v60+s18+$0x0], $0xffff  }
0x75: {  	v4 =	vor.u32 $0xF, v4;
	v1 =	vadd.f32 v5, v1  }
0x76: {  	v5 =	vld.idx.msk [tilespmem:v6+s18+$0x0], $0xffff  }
0x77: {  	v1 =	vadd.f32 v2, v1  }
0x78: {  	v2 =	vld.idx.msk [tilespmem:v7+s18+$0x0], $0xffff  }
0x79: {  	s28 =	simm.s32 $0x10;
	v1 =	vadd.f32 v3, v1  }
0x7a: {  	v3 =	vld.idx.msk [tilespmem:v4+s18+$0x0], $0xffff;
	v4 =	vmov s28  }
0x7b: {  	v4 =	vshll.u32 v4, $0x7;
	v1 =	vadd.f32 v5, v1  }
0x7c: {  	v4 =	vor.u32 v0, v4  }
0x7d: {  	v5 =	vor.u32 $0x1, v4;
	v1 =	vadd.f32 v2, v1;
	_ =	sdelay $0x1  }
0x7e: {  	v1 =	vadd.f32 v3, v1  }
0x7f: {  	v2 =	vor.u32 $0x2, v4  }
0x80: {  	[tilespmem:s24+$0x0] =	vst v1  }
0x81: {  	v3 =	vor.u32 $0x3, v4;
	v1 =	vld.idx.msk [tilespmem:v5+s18+$0x0], $0xffff  }
0x82: {  	v5 =	vld.idx.msk [tilespmem:v4+s18+$0x0], $0xffff  }
0x83: {  	v6 =	vor.u32 $0x4, v4  }
0x84: {  	v2 =	vld.idx.msk [tilespmem:v2+s18+$0x0], $0xffff  }
0x85: {  	v7 =	vor.u32 $0x5, v4  }
0x86: {  	v3 =	vld.idx.msk [tilespmem:v3+s18+$0x0], $0xffff  }
0x87: {  	v61 =	vor.u32 $0x6, v4;
	v1 =	vadd.f32 v1, v5  }
0x88: {  	v5 =	vld.idx.msk [tilespmem:v6+s18+$0x0], $0xffff  }
0x89: {  	v6 =	vor.u32 $0x7, v4;
	v1 =	vadd.f32 v2, v1  }
0x8a: {  	v2 =	vld.idx.msk [tilespmem:v7+s18+$0x0], $0xffff  }
0x8b: {  	v7 =	vor.u32 $0x8, v4;
	v1 =	vadd.f32 v3, v1  }
0x8c: {  	v3 =	vld.idx.msk [tilespmem:v61+s18+$0x0], $0xffff  }
0x8d: {  	v62 =	vor.u32 $0x9, v4;
	v1 =	vadd.f32 v5, v1  }
0x8e: {  	v5 =	vld.idx.msk [tilespmem:v6+s18+$0x0], $0xffff  }
0x8f: {  	v6 =	vor.u32 $0xA, v4;
	v1 =	vadd.f32 v2, v1  }
0x90: {  	v2 =	vld.idx.msk [tilespmem:v7+s18+$0x0], $0xffff  }
0x91: {  	v7 =	vor.u32 $0xB, v4;
	v1 =	vadd.f32 v3, v1  }
0x92: {  	v3 =	vld.idx.msk [tilespmem:v62+s18+$0x0], $0xffff  }
0x93: {  	v63 =	vor.u32 $0xC, v4;
	v1 =	vadd.f32 v5, v1  }
0x94: {  	v5 =	vld.idx.msk [tilespmem:v6+s18+$0x0], $0xffff  }
0x95: {  	v1 =	vadd.f32 v2, v1  }
0x96: {  	v6 =	vor.u32 $0xD, v4;
	v2 =	vld.idx.msk [tilespmem:v7+s18+$0x0], $0xffff  }
0x97: {  	v1 =	vadd.f32 v3, v1  }
0x98: {  	v7 =	vor.u32 $0xE, v4;
	v3 =	vld.idx.msk [tilespmem:v63+s18+$0x0], $0xffff  }
0x99: {  	v1 =	vadd.f32 v5, v1  }
0x9a: {  	v4 =	vor.u32 $0xF, v4  }
0x9b: {  	v5 =	vld.idx.msk [tilespmem:v6+s18+$0x0], $0xffff;
	v1 =	vadd.f32 v2, v1;
	_ =	sdelay $0x1  }
0x9c: {  	v3 =	vadd.f32 v3, v1;
	v1 =	vld.idx.msk [tilespmem:v7+s18+$0x0], $0xffff  }
0x9d: {  	s28 =	simm.s32 $0x20  }
0x9e: {  	v6 =	vmov s28;
	v2 =	vld.idx.msk [tilespmem:v4+s18+$0x0], $0xffff  }
0x9f: {  	s29 =	simm.s32 $0x30;
	s28 =	smov.u32 s24;
	v4 =	vshll.u32 v6, $0x7;
	v3 =	vadd.f32 v5, v3  }
.LBB2_5:
0xa0: {  	p0 =	sne.s32 s29, $0x40;
	v4 =	vor.u32 v0, v4  }
0xa1: {  	v5 =	vor.u32 $0x1, v4;
	v1 =	vadd.f32 v1, v3;
	_ =	sdelay $0x1  }
0xa2: {  	v1 =	vadd.f32 v2, v1  }
0xa3: {  	s28 =	sadd.s32 $0x10, s28;
	v2 =	vor.u32 $0x2, v4  }
0xa4: {  	[tilespmem:s28+$0x0] =	vst v1  }
0xa5: {  	v3 =	vor.u32 $0x3, v4;
	v1 =	vld.idx.msk [tilespmem:v5+s18+$0x0], $0xffff  }
0xa6: {  	v5 =	vld.idx.msk [tilespmem:v4+s18+$0x0], $0xffff  }
0xa7: {  	v6 =	vor.u32 $0x4, v4  }
0xa8: {  	v2 =	vld.idx.msk [tilespmem:v2+s18+$0x0], $0xffff  }
0xa9: {  	v7 =	vor.u32 $0x5, v4  }
0xaa: {  	v3 =	vld.idx.msk [tilespmem:v3+s18+$0x0], $0xffff  }
0xab: {  	v8 =	vor.u32 $0x6, v4  }
0xac: {  	v1 =	vadd.f32 v1, v5;
	v5 =	vld.idx.msk [tilespmem:v6+s18+$0x0], $0xffff  }
0xad: {  	v6 =	vor.u32 $0x7, v4  }
0xae: {  	v1 =	vadd.f32 v2, v1;
	v2 =	vld.idx.msk [tilespmem:v7+s18+$0x0], $0xffff  }
0xaf: {  	v7 =	vor.u32 $0x8, v4  }
0xb0: {  	v1 =	vadd.f32 v3, v1;
	v3 =	vld.idx.msk [tilespmem:v8+s18+$0x0], $0xffff  }
0xb1: {  	v8 =	vor.u32 $0x9, v4  }
0xb2: {  	v1 =	vadd.f32 v5, v1;
	v5 =	vld.idx.msk [tilespmem:v6+s18+$0x0], $0xffff  }
0xb3: {  	v6 =	vor.u32 $0xA, v4  }
0xb4: {  	v1 =	vadd.f32 v2, v1;
	v2 =	vld.idx.msk [tilespmem:v7+s18+$0x0], $0xffff  }
0xb5: {  	v7 =	vor.u32 $0xB, v4  }
0xb6: {  	v1 =	vadd.f32 v3, v1;
	v3 =	vld.idx.msk [tilespmem:v8+s18+$0x0], $0xffff  }
0xb7: {  	v8 =	vor.u32 $0xC, v4  }
0xb8: {  	v1 =	vadd.f32 v5, v1;
	v5 =	vld.idx.msk [tilespmem:v6+s18+$0x0], $0xffff  }
0xb9: {  	v6 =	vor.u32 $0xD, v4  }
0xba: {  	v1 =	vadd.f32 v2, v1;
	v2 =	vld.idx.msk [tilespmem:v7+s18+$0x0], $0xffff  }
0xbb: {  	v7 =	vor.u32 $0xE, v4  }
0xbc: {  	v1 =	vadd.f32 v3, v1;
	v3 =	vld.idx.msk [tilespmem:v8+s18+$0x0], $0xffff  }
0xbd: {  	v4 =	vor.u32 $0xF, v4  }
0xbe: {  	v1 =	vadd.f32 v5, v1;
	v5 =	vld.idx.msk [tilespmem:v6+s18+$0x0], $0xffff;
	_ =	sdelay $0x1  }
.Ltmp1:
0xbf: {  	v2 =	vadd.f32 v2, v1;
	v1 =	vld.idx.msk [tilespmem:v7+s18+$0x0], $0xffff;
	(pc) =	sbr.rel @p0 .LBB2_5-.Ltmp1, $4  }
0xc0: {  	_ = 	snop  }
0xc1: {  	v3 =	vadd.f32 v3, v2;
	v2 =	vld.idx.msk [tilespmem:v4+s18+$0x0], $0xffff  }
0xc2: {  	v4 =	vmov s29  }
0xc3: {  	s29 =	sadd.s32 $0x10, s29;
	v4 =	vshll.u32 v4, $0x7;
	v3 =	vadd.f32 v5, v3  }
0xc4: {  	v4 =	vor.u32 v0, v4  }
0xc5: {  	v5 =	vor.u32 $0x1, v4;
	v1 =	vadd.f32 v1, v3;
	_ =	sdelay $0x1  }
0xc6: {  	v1 =	vadd.f32 v2, v1  }
0xc7: {  	s28 =	sadd.s32 $0x10, s28;
	v2 =	vor.u32 $0x2, v4  }
0xc8: {  	[tilespmem:s28+$0x0] =	vst v1  }
0xc9: {  	v3 =	vor.u32 $0x3, v4;
	v1 =	vld.idx.msk [tilespmem:v5+s18+$0x0], $0xffff  }
0xca: {  	v5 =	vld.idx.msk [tilespmem:v4+s18+$0x0], $0xffff  }
0xcb: {  	v6 =	vor.u32 $0x4, v4  }
0xcc: {  	v2 =	vld.idx.msk [tilespmem:v2+s18+$0x0], $0xffff  }
0xcd: {  	v7 =	vor.u32 $0x5, v4  }
0xce: {  	v3 =	vld.idx.msk [tilespmem:v3+s18+$0x0], $0xffff  }
0xcf: {  	v8 =	vor.u32 $0x6, v4;
	v1 =	vadd.f32 v1, v5  }
0xd0: {  	v5 =	vld.idx.msk [tilespmem:v6+s18+$0x0], $0xffff  }
0xd1: {  	v6 =	vor.u32 $0x7, v4;
	v1 =	vadd.f32 v2, v1  }
0xd2: {  	v2 =	vld.idx.msk [tilespmem:v7+s18+$0x0], $0xffff  }
0xd3: {  	v7 =	vor.u32 $0x8, v4;
	v1 =	vadd.f32 v3, v1  }
0xd4: {  	v3 =	vld.idx.msk [tilespmem:v8+s18+$0x0], $0xffff  }
0xd5: {  	v8 =	vor.u32 $0x9, v4;
	v1 =	vadd.f32 v5, v1  }
0xd6: {  	v5 =	vld.idx.msk [tilespmem:v6+s18+$0x0], $0xffff  }
0xd7: {  	v6 =	vor.u32 $0xA, v4;
	v1 =	vadd.f32 v2, v1  }
0xd8: {  	v2 =	vld.idx.msk [tilespmem:v7+s18+$0x0], $0xffff  }
0xd9: {  	v7 =	vor.u32 $0xB, v4;
	v1 =	vadd.f32 v3, v1  }
0xda: {  	v3 =	vld.idx.msk [tilespmem:v8+s18+$0x0], $0xffff  }
0xdb: {  	v8 =	vor.u32 $0xC, v4;
	v1 =	vadd.f32 v5, v1  }
0xdc: {  	v5 =	vld.idx.msk [tilespmem:v6+s18+$0x0], $0xffff  }
0xdd: {  	v6 =	vor.u32 $0xD, v4;
	v1 =	vadd.f32 v2, v1  }
0xde: {  	v2 =	vld.idx.msk [tilespmem:v7+s18+$0x0], $0xffff  }
0xdf: {  	v7 =	vor.u32 $0xE, v4;
	v1 =	vadd.f32 v3, v1  }
0xe0: {  	v3 =	vld.idx.msk [tilespmem:v8+s18+$0x0], $0xffff  }
0xe1: {  	v4 =	vor.u32 $0xF, v4;
	v1 =	vadd.f32 v5, v1  }
0xe2: {  	v5 =	vld.idx.msk [tilespmem:v6+s18+$0x0], $0xffff  }
0xe3: {  	v1 =	vadd.f32 v2, v1  }
0xe4: {  	v2 =	vld.idx.msk [tilespmem:v7+s18+$0x0], $0xffff  }
0xe5: {  	v1 =	vadd.f32 v3, v1  }
0xe6: {  	v3 =	vld.idx.msk [tilespmem:v4+s18+$0x0], $0xffff  }
0xe7: {  	v1 =	vadd.f32 v5, v1;
	_ =	sdelay $0x1  }
0xe8: {  	v1 =	vadd.f32 v2, v1;
	_ =	sdelay $0x1  }
0xe9: {  	v1 =	vadd.f32 v3, v1  }
0xea: {  	s28 =	sadd.s32 $0x10, s28  }
0xeb: {  	[tilespmem:s28+$0x0] =	vst v1;
	s28 =	sadd.s32 $0xA0, s26  }
0xec: {  	[tilespmem:s12], [sflag:$0x1] =	stream.indirect.gather [hbm4b:s1+s11], $0x80, s28, s11, $0xb8;
	[tilespmem:$0x13E80] =	vst v63  }
0xed: {  	s31 =	sadd.s32 $0x2820, s26  }
0xee: {  	[tilespmem:s13], [sflag:$0x2] =	stream.indirect.gather [hbm4b:s2+s11], $0x80, s31, s11, $0xb8;
	[tilespmem:$0x13E80] =	vst v63  }
0xef: {  	_ =	swait.ge [sflag:s19], $0x2800  }
0xf0: {  	[sflag:s19] =	ssyncset.done $0x0  }
0xf1: {  	[sflag:s19] =	ssyncadd.s32 $0xFFFFD800  }
0xf2: {  	_ =	swait.ge [sflag:s20], $0x2800  }
0xf3: {  	[sflag:s20] =	ssyncset.done $0x0  }
0xf4: {  	s26 =	simm.s32 $0x0;
	[sflag:s20] =	ssyncadd.s32 $0xFFFFD800  }
0xf5: {  	v1 =	vld [tilespmem:s26+$0x9F00]  }
0xf6: {  	v2 =	vld [tilespmem:s26+$0xC700]  }
0xf7: {  	v3 =	vld [tilespmem:s26+$0x9F10]  }
0xf8: {  	v4 =	vld [tilespmem:s26+$0xC710]  }
0xf9: {  	v5 =	vld [tilespmem:s26+$0x9F20]  }
0xfa: {  	v6 =	vld [tilespmem:s26+$0xC720]  }
0xfb: {  	v7 =	vld [tilespmem:s26+$0x9F30]  }
0xfc: {  	v8 =	vld [tilespmem:s26+$0xC730]  }
0xfd: {  	v1 =	vmul.f32 v2, v1;
	v2 =	vmul.f32 v4, v3;
	v3 =	vld [tilespmem:s26+$0x9F40]  }
0xfe: {  	v4 =	vld [tilespmem:s26+$0xC740]  }
0xff: {  	v9 =	vld [tilespmem:s26+$0xC750];
	v1 =	vadd.f32 v2, v1;
	v2 =	vmul.f32 v6, v5  }
0x100: {  	v6 =	vld [tilespmem:s26+$0x9F50]  }
0x101: {  	v1 =	vadd.f32 v2, v1;
	v2 =	vmul.f32 v8, v7;
	v7 =	vld [tilespmem:s26+$0x9F60]  }
0x102: {  	v8 =	vld [tilespmem:s26+$0xC760]  }
0x103: {  	v5 =	vld [tilespmem:s26+$0xC770];
	v3 =	vmul.f32 v4, v3;
	v10 =	vadd.f32 v2, v1  }
0x104: {  	s29 =	simm.s32 $0x80;
	v2 =	vld [tilespmem:s26+$0x9F70]  }
0x105: {  	v4 =	vld [tilespmem:s29+$0x9F10];
	v6 =	vmul.f32 v9, v6;
	v10 =	vadd.f32 v3, v10  }
0x106: {  	v1 =	vld [tilespmem:s29+$0x9F00]  }
0x107: {  	s30 =	simm.s32 $0x400;
	s28 =	simm.s32 $0x0;
	v3 =	vld [tilespmem:s29+$0xC700];
	v7 =	vmul.f32 v8, v7;
	v6 =	vadd.f32 v6, v10  }
.LBB2_7:
0x108: {  	p0 =	sne.s32 s30, $0x9E00;
	v8 =	vld [tilespmem:s29+$0xC710]  }
0x109: {  	v9 =	vld [tilespmem:s29+$0x9F20];
	v6 =	vadd.f32 v7, v6;
	v2 =	vmul.f32 v5, v2  }
0x10a: {  	v5 =	vld [tilespmem:s29+$0xC720]  }
0x10b: {  	v7 =	vld [tilespmem:s29+$0x9F30];
	v2 =	vadd.f32 v2, v6  }
0x10c: {  	v6 =	vld [tilespmem:s29+$0xC730]  }
0x10d: {  	v1 =	vmul.f32 v3, v1;
	v3 =	vmul.f32 v8, v4;
	v4 =	vld [tilespmem:s29+$0x9F40];
	[tilespmem:s26+$0x11680] =	vst v2;
	s26 =	smov.u32 s29  }
0x10e: {  	v2 =	vld [tilespmem:s26+$0xC740]  }
0x10f: {  	v1 =	vadd.f32 v3, v1;
	v3 =	vmul.f32 v5, v9;
	v8 =	vld [tilespmem:s26+$0x9F50]  }
0x110: {  	v9 =	vld [tilespmem:s26+$0xC750]  }
0x111: {  	v1 =	vadd.f32 v3, v1;
	v3 =	vmul.f32 v6, v7;
	v7 =	vld [tilespmem:s26+$0x9F60]  }
0x112: {  	v10 =	vld [tilespmem:s26+$0xC760]  }
.Ltmp2:
0x113: {  	v3 =	vadd.f32 v3, v1;
	v4 =	vmul.f32 v2, v4;
	v2 =	vld [tilespmem:s26+$0x9F70];
	(pc) =	sbr.rel @p0 .LBB2_7-.Ltmp2, $4  }
0x114: {  	s29 =	sshra.s32 s30, $0x2;
	v5 =	vld [tilespmem:s26+$0xC770]  }
0x115: {  	v1 =	vld [tilespmem:s29+$0x9F00];
	v6 =	vadd.f32 v4, v3;
	v8 =	vmul.f32 v9, v8  }
0x116: {  	v3 =	vld [tilespmem:s29+$0xC700]  }
0x117: {  	s30 =	sadd.s32 $0x200, s30;
	v4 =	vld [tilespmem:s29+$0x9F10];
	v6 =	vadd.f32 v8, v6;
	v7 =	vmul.f32 v10, v7  }
0x118: {  	v8 =	vld [tilespmem:s29+$0xC710]  }
0x119: {  	v9 =	vld [tilespmem:s29+$0x9F20];
	v6 =	vadd.f32 v7, v6;
	v2 =	vmul.f32 v5, v2  }
0x11a: {  	v5 =	vld [tilespmem:s29+$0xC720]  }
0x11b: {  	v7 =	vld [tilespmem:s29+$0x9F30];
	v2 =	vadd.f32 v2, v6  }
0x11c: {  	v6 =	vld [tilespmem:s29+$0xC730]  }
0x11d: {  	v10 =	vld [tilespmem:s29+$0x9F40];
	v1 =	vmul.f32 v3, v1;
	v3 =	vmul.f32 v8, v4;
	[tilespmem:s26+$0x11680] =	vst v2  }
0x11e: {  	v2 =	vld [tilespmem:s29+$0xC740]  }
0x11f: {  	v4 =	vld [tilespmem:s29+$0x9F50];
	v1 =	vadd.f32 v3, v1;
	v3 =	vmul.f32 v5, v9  }
0x120: {  	v5 =	vld [tilespmem:s29+$0xC750]  }
0x121: {  	v1 =	vadd.f32 v3, v1;
	v3 =	vmul.f32 v6, v7;
	v6 =	vld [tilespmem:s29+$0x9F60]  }
0x122: {  	v7 =	vld [tilespmem:s29+$0xC760]  }
0x123: {  	v57 =	vld [tilespmem:s29+$0xC770];
	v1 =	vadd.f32 v3, v1;
	v2 =	vmul.f32 v2, v10  }
0x124: {  	v3 =	vld [tilespmem:s29+$0x9F70]  }
0x125: {  	v1 =	vadd.f32 v2, v1;
	v2 =	vmul.f32 v5, v4  }
0x126: {  	v4 =	vmov s28  }
0x127: {  	v4 =	vshll.u32 v4, $0x7;
	v1 =	vadd.f32 v2, v1;
	v2 =	vmul.f32 v7, v6  }
0x128: {  	v4 =	vor.u32 v0, v4  }
0x129: {  	v1 =	vadd.f32 v2, v1;
	v2 =	vmul.f32 v57, v3;
	v3 =	vor.u32 $0x1, v4;
	_ =	sdelay $0x1  }
0x12a: {  	v1 =	vadd.f32 v2, v1  }
0x12b: {  	v2 =	vor.u32 $0x2, v4  }
0x12c: {  	[tilespmem:s29+$0x11680] =	vst v1  }
0x12d: {  	v1 =	vld.idx.msk [tilespmem:v3+s18+$0x0], $0xffff;
	v3 =	vor.u32 $0x3, v4  }
0x12e: {  	v5 =	vld.idx.msk [tilespmem:v4+s18+$0x0], $0xffff  }
0x12f: {  	v6 =	vor.u32 $0x4, v4  }
0x130: {  	v2 =	vld.idx.msk [tilespmem:v2+s18+$0x0], $0xffff  }
0x131: {  	v7 =	vor.u32 $0x5, v4  }
0x132: {  	v3 =	vld.idx.msk [tilespmem:v3+s18+$0x0], $0xffff  }
0x133: {  	v58 =	vor.u32 $0x6, v4;
	v1 =	vadd.f32 v1, v5  }
0x134: {  	v5 =	vld.idx.msk [tilespmem:v6+s18+$0x0], $0xffff  }
0x135: {  	v6 =	vor.u32 $0x7, v4;
	v1 =	vadd.f32 v2, v1  }
0x136: {  	v2 =	vld.idx.msk [tilespmem:v7+s18+$0x0], $0xffff  }
0x137: {  	v7 =	vor.u32 $0x8, v4;
	v1 =	vadd.f32 v3, v1  }
0x138: {  	v3 =	vld.idx.msk [tilespmem:v58+s18+$0x0], $0xffff  }
0x139: {  	v59 =	vor.u32 $0x9, v4;
	v1 =	vadd.f32 v5, v1  }
0x13a: {  	v5 =	vld.idx.msk [tilespmem:v6+s18+$0x0], $0xffff  }
0x13b: {  	v6 =	vor.u32 $0xA, v4;
	v1 =	vadd.f32 v2, v1  }
0x13c: {  	v2 =	vld.idx.msk [tilespmem:v7+s18+$0x0], $0xffff  }
0x13d: {  	v7 =	vor.u32 $0xB, v4;
	v1 =	vadd.f32 v3, v1  }
0x13e: {  	v3 =	vld.idx.msk [tilespmem:v59+s18+$0x0], $0xffff  }
0x13f: {  	v60 =	vor.u32 $0xC, v4;
	v1 =	vadd.f32 v5, v1  }
0x140: {  	v5 =	vld.idx.msk [tilespmem:v6+s18+$0x0], $0xffff  }
0x141: {  	v6 =	vor.u32 $0xD, v4;
	v1 =	vadd.f32 v2, v1  }
0x142: {  	v2 =	vld.idx.msk [tilespmem:v7+s18+$0x0], $0xffff  }
0x143: {  	v7 =	vor.u32 $0xE, v4;
	v1 =	vadd.f32 v3, v1  }
0x144: {  	v3 =	vld.idx.msk [tilespmem:v60+s18+$0x0], $0xffff  }
0x145: {  	v4 =	vor.u32 $0xF, v4;
	v1 =	vadd.f32 v5, v1  }
0x146: {  	v5 =	vld.idx.msk [tilespmem:v6+s18+$0x0], $0xffff  }
0x147: {  	v1 =	vadd.f32 v2, v1  }
0x148: {  	v2 =	vld.idx.msk [tilespmem:v7+s18+$0x0], $0xffff  }
0x149: {  	s30 =	simm.s32 $0x10;
	v1 =	vadd.f32 v3, v1  }
0x14a: {  	v3 =	vld.idx.msk [tilespmem:v4+s18+$0x0], $0xffff;
	v4 =	vmov s30  }
0x14b: {  	v4 =	vshll.u32 v4, $0x7;
	v1 =	vadd.f32 v5, v1  }
0x14c: {  	v4 =	vor.u32 v0, v4  }
0x14d: {  	v5 =	vor.u32 $0x1, v4;
	v1 =	vadd.f32 v2, v1;
	_ =	sdelay $0x1  }
0x14e: {  	v1 =	vadd.f32 v3, v1  }
0x14f: {  	v2 =	vor.u32 $0x2, v4  }
0x150: {  	[tilespmem:s23+$0x0] =	vst v1  }
0x151: {  	v3 =	vor.u32 $0x3, v4;
	v1 =	vld.idx.msk [tilespmem:v5+s18+$0x0], $0xffff  }
0x152: {  	v5 =	vld.idx.msk [tilespmem:v4+s18+$0x0], $0xffff  }
0x153: {  	v6 =	vor.u32 $0x4, v4  }
0x154: {  	v2 =	vld.idx.msk [tilespmem:v2+s18+$0x0], $0xffff  }
0x155: {  	v7 =	vor.u32 $0x5, v4  }
0x156: {  	v3 =	vld.idx.msk [tilespmem:v3+s18+$0x0], $0xffff  }
0x157: {  	v61 =	vor.u32 $0x6, v4;
	v1 =	vadd.f32 v1, v5  }
0x158: {  	v5 =	vld.idx.msk [tilespmem:v6+s18+$0x0], $0xffff  }
0x159: {  	v6 =	vor.u32 $0x7, v4;
	v1 =	vadd.f32 v2, v1  }
0x15a: {  	v2 =	vld.idx.msk [tilespmem:v7+s18+$0x0], $0xffff  }
0x15b: {  	v7 =	vor.u32 $0x8, v4;
	v1 =	vadd.f32 v3, v1  }
0x15c: {  	v3 =	vld.idx.msk [tilespmem:v61+s18+$0x0], $0xffff  }
0x15d: {  	v62 =	vor.u32 $0x9, v4;
	v1 =	vadd.f32 v5, v1  }
0x15e: {  	v5 =	vld.idx.msk [tilespmem:v6+s18+$0x0], $0xffff  }
0x15f: {  	v6 =	vor.u32 $0xA, v4;
	v1 =	vadd.f32 v2, v1  }
0x160: {  	v2 =	vld.idx.msk [tilespmem:v7+s18+$0x0], $0xffff  }
0x161: {  	v7 =	vor.u32 $0xB, v4;
	v1 =	vadd.f32 v3, v1  }
0x162: {  	v3 =	vld.idx.msk [tilespmem:v62+s18+$0x0], $0xffff  }
0x163: {  	v63 =	vor.u32 $0xC, v4;
	v1 =	vadd.f32 v5, v1  }
0x164: {  	v5 =	vld.idx.msk [tilespmem:v6+s18+$0x0], $0xffff  }
0x165: {  	v1 =	vadd.f32 v2, v1  }
0x166: {  	v6 =	vor.u32 $0xD, v4;
	v2 =	vld.idx.msk [tilespmem:v7+s18+$0x0], $0xffff  }
0x167: {  	v1 =	vadd.f32 v3, v1  }
0x168: {  	v7 =	vor.u32 $0xE, v4;
	v3 =	vld.idx.msk [tilespmem:v63+s18+$0x0], $0xffff  }
0x169: {  	v1 =	vadd.f32 v5, v1  }
0x16a: {  	v4 =	vor.u32 $0xF, v4  }
0x16b: {  	v5 =	vld.idx.msk [tilespmem:v6+s18+$0x0], $0xffff;
	v1 =	vadd.f32 v2, v1;
	_ =	sdelay $0x1  }
0x16c: {  	v3 =	vadd.f32 v3, v1;
	v1 =	vld.idx.msk [tilespmem:v7+s18+$0x0], $0xffff  }
0x16d: {  	s31 =	simm.s32 $0x20  }
0x16e: {  	v6 =	vmov s31;
	v2 =	vld.idx.msk [tilespmem:v4+s18+$0x0], $0xffff  }
0x16f: {  	s26 =	smov.u32 s23;
	s28 =	simm.s32 $0x30;
	v4 =	vshll.u32 v6, $0x7;
	v3 =	vadd.f32 v5, v3  }
.LBB2_9:
0x170: {  	p0 =	sne.s32 s28, $0x40;
	v4 =	vor.u32 v0, v4  }
0x171: {  	v5 =	vor.u32 $0x1, v4;
	v1 =	vadd.f32 v1, v3;
	_ =	sdelay $0x1  }
0x172: {  	v1 =	vadd.f32 v2, v1  }
0x173: {  	s26 =	sadd.s32 $0x10, s26;
	v2 =	vor.u32 $0x2, v4  }
0x174: {  	[tilespmem:s26+$0x0] =	vst v1  }
0x175: {  	v3 =	vor.u32 $0x3, v4;
	v1 =	vld.idx.msk [tilespmem:v5+s18+$0x0], $0xffff  }
0x176: {  	v5 =	vld.idx.msk [tilespmem:v4+s18+$0x0], $0xffff  }
0x177: {  	v6 =	vor.u32 $0x4, v4  }
0x178: {  	v2 =	vld.idx.msk [tilespmem:v2+s18+$0x0], $0xffff  }
0x179: {  	v7 =	vor.u32 $0x5, v4  }
0x17a: {  	v3 =	vld.idx.msk [tilespmem:v3+s18+$0x0], $0xffff  }
0x17b: {  	v8 =	vor.u32 $0x6, v4  }
0x17c: {  	v1 =	vadd.f32 v1, v5;
	v5 =	vld.idx.msk [tilespmem:v6+s18+$0x0], $0xffff  }
0x17d: {  	v6 =	vor.u32 $0x7, v4  }
0x17e: {  	v1 =	vadd.f32 v2, v1;
	v2 =	vld.idx.msk [tilespmem:v7+s18+$0x0], $0xffff  }
0x17f: {  	v7 =	vor.u32 $0x8, v4  }
0x180: {  	v1 =	vadd.f32 v3, v1;
	v3 =	vld.idx.msk [tilespmem:v8+s18+$0x0], $0xffff  }
0x181: {  	v8 =	vor.u32 $0x9, v4  }
0x182: {  	v1 =	vadd.f32 v5, v1;
	v5 =	vld.idx.msk [tilespmem:v6+s18+$0x0], $0xffff  }
0x183: {  	v6 =	vor.u32 $0xA, v4  }
0x184: {  	v1 =	vadd.f32 v2, v1;
	v2 =	vld.idx.msk [tilespmem:v7+s18+$0x0], $0xffff  }
0x185: {  	v7 =	vor.u32 $0xB, v4  }
0x186: {  	v1 =	vadd.f32 v3, v1;
	v3 =	vld.idx.msk [tilespmem:v8+s18+$0x0], $0xffff  }
0x187: {  	v8 =	vor.u32 $0xC, v4  }
0x188: {  	v1 =	vadd.f32 v5, v1;
	v5 =	vld.idx.msk [tilespmem:v6+s18+$0x0], $0xffff  }
0x189: {  	v6 =	vor.u32 $0xD, v4  }
0x18a: {  	v1 =	vadd.f32 v2, v1;
	v2 =	vld.idx.msk [tilespmem:v7+s18+$0x0], $0xffff  }
0x18b: {  	v7 =	vor.u32 $0xE, v4  }
0x18c: {  	v1 =	vadd.f32 v3, v1;
	v3 =	vld.idx.msk [tilespmem:v8+s18+$0x0], $0xffff  }
0x18d: {  	v4 =	vor.u32 $0xF, v4  }
0x18e: {  	v1 =	vadd.f32 v5, v1;
	v5 =	vld.idx.msk [tilespmem:v6+s18+$0x0], $0xffff;
	_ =	sdelay $0x1  }
.Ltmp3:
0x18f: {  	v2 =	vadd.f32 v2, v1;
	v1 =	vld.idx.msk [tilespmem:v7+s18+$0x0], $0xffff;
	(pc) =	sbr.rel @p0 .LBB2_9-.Ltmp3, $4  }
0x190: {  	_ = 	snop  }
0x191: {  	v3 =	vadd.f32 v3, v2;
	v2 =	vld.idx.msk [tilespmem:v4+s18+$0x0], $0xffff  }
0x192: {  	v4 =	vmov s28  }
0x193: {  	s28 =	sadd.s32 $0x10, s28;
	v4 =	vshll.u32 v4, $0x7;
	v3 =	vadd.f32 v5, v3  }
0x194: {  	v4 =	vor.u32 v0, v4  }
0x195: {  	v5 =	vor.u32 $0x1, v4;
	v1 =	vadd.f32 v1, v3;
	_ =	sdelay $0x1  }
0x196: {  	v1 =	vadd.f32 v2, v1  }
0x197: {  	s26 =	sadd.s32 $0x10, s26;
	v2 =	vor.u32 $0x2, v4  }
0x198: {  	[tilespmem:s26+$0x0] =	vst v1  }
0x199: {  	v3 =	vor.u32 $0x3, v4;
	v1 =	vld.idx.msk [tilespmem:v5+s18+$0x0], $0xffff  }
0x19a: {  	v51 =	vld.idx.msk [tilespmem:v4+s18+$0x0], $0xffff  }
0x19b: {  	v6 =	vor.u32 $0x4, v4  }
0x19c: {  	v2 =	vld.idx.msk [tilespmem:v2+s18+$0x0], $0xffff  }
0x19d: {  	v7 =	vor.u32 $0x5, v4  }
0x19e: {  	v3 =	vld.idx.msk [tilespmem:v3+s18+$0x0], $0xffff  }
0x19f: {  	v8 =	vor.u32 $0x6, v4;
	v1 =	vadd.f32 v1, v51  }
0x1a0: {  	v52 =	vld.idx.msk [tilespmem:v6+s18+$0x0], $0xffff  }
0x1a1: {  	v53 =	vor.u32 $0x7, v4;
	v1 =	vadd.f32 v2, v1  }
0x1a2: {  	v2 =	vld.idx.msk [tilespmem:v7+s18+$0x0], $0xffff  }
0x1a3: {  	v54 =	vor.u32 $0x8, v4;
	v1 =	vadd.f32 v3, v1  }
0x1a4: {  	v3 =	vld.idx.msk [tilespmem:v8+s18+$0x0], $0xffff  }
0x1a5: {  	v55 =	vor.u32 $0x9, v4;
	v1 =	vadd.f32 v52, v1  }
0x1a6: {  	v56 =	vld.idx.msk [tilespmem:v53+s18+$0x0], $0xffff  }
0x1a7: {  	v57 =	vor.u32 $0xA, v4;
	v1 =	vadd.f32 v2, v1  }
0x1a8: {  	v2 =	vld.idx.msk [tilespmem:v54+s18+$0x0], $0xffff  }
0x1a9: {  	v58 =	vor.u32 $0xB, v4;
	v1 =	vadd.f32 v3, v1  }
0x1aa: {  	v3 =	vld.idx.msk [tilespmem:v55+s18+$0x0], $0xffff  }
0x1ab: {  	v59 =	vor.u32 $0xC, v4;
	v1 =	vadd.f32 v56, v1  }
0x1ac: {  	v60 =	vld.idx.msk [tilespmem:v57+s18+$0x0], $0xffff  }
0x1ad: {  	v61 =	vor.u32 $0xD, v4;
	v1 =	vadd.f32 v2, v1  }
0x1ae: {  	v2 =	vld.idx.msk [tilespmem:v58+s18+$0x0], $0xffff  }
0x1af: {  	v62 =	vor.u32 $0xE, v4;
	v1 =	vadd.f32 v3, v1  }
0x1b0: {  	v3 =	vld.idx.msk [tilespmem:v59+s18+$0x0], $0xffff  }
0x1b1: {  	v4 =	vor.u32 $0xF, v4;
	v1 =	vadd.f32 v60, v1  }
0x1b2: {  	v63 =	vld.idx.msk [tilespmem:v61+s18+$0x0], $0xffff  }
0x1b3: {  	v1 =	vadd.f32 v2, v1  }
0x1b4: {  	v2 =	vld.idx.msk [tilespmem:v62+s18+$0x0], $0xffff  }
0x1b5: {  	v1 =	vadd.f32 v3, v1  }
0x1b6: {  	v3 =	vld.idx.msk [tilespmem:v4+s18+$0x0], $0xffff  }
0x1b7: {  	s25 =	sadd.s32 $0x1, s25;
	v1 =	vadd.f32 v63, v1  }
0x1b8: {  	p0 =	sne.s32 s25, $0x3E  }
.Ltmp4:
0x1b9: {  	v1 =	vadd.f32 v2, v1;
	(pc) =	sbr.rel @p0 .LBB2_2-.Ltmp4, $4  }
0x1ba: {  	_ = 	snop  }
0x1bb: {  	v1 =	vadd.f32 v3, v1  }
0x1bc: {  	s26 =	sadd.s32 $0x10, s26  }
0x1bd: {  	s24 =	sadd.s32 $0xA0, s24;
	s23 =	sadd.s32 $0xA0, s23;
	[tilespmem:s26+$0x0] =	vst v1  }
0x1be: {  	_ =	swait.ge [sflag:s16], $0x2800  }
0x1bf: {  	[sflag:s16] =	ssyncset.done $0x0  }
0x1c0: {  	[sflag:s16] =	ssyncadd.s32 $0xFFFFD800  }
0x1c1: {  	_ =	swait.ge [sflag:s17], $0x2800  }
0x1c2: {  	[sflag:s17] =	ssyncset.done $0x0  }
0x1c3: {  	s23 =	simm.s32 $0x0;
	[sflag:s17] =	ssyncadd.s32 $0xFFFFD800  }
0x1c4: {  	v1 =	vld [tilespmem:s23+$0x4F00]  }
0x1c5: {  	v2 =	vld [tilespmem:s23+$0x7700]  }
0x1c6: {  	v3 =	vld [tilespmem:s23+$0x4F10]  }
0x1c7: {  	v4 =	vld [tilespmem:s23+$0x7710]  }
0x1c8: {  	v5 =	vld [tilespmem:s23+$0x4F20]  }
0x1c9: {  	v6 =	vld [tilespmem:s23+$0x7720]  }
0x1ca: {  	v7 =	vld [tilespmem:s23+$0x4F30]  }
0x1cb: {  	v8 =	vld [tilespmem:s23+$0x7730]  }
0x1cc: {  	v1 =	vmul.f32 v2, v1;
	v2 =	vmul.f32 v4, v3;
	v3 =	vld [tilespmem:s23+$0x4F40]  }
0x1cd: {  	v4 =	vld [tilespmem:s23+$0x7740]  }
0x1ce: {  	v9 =	vld [tilespmem:s23+$0x7750];
	v1 =	vadd.f32 v2, v1;
	v2 =	vmul.f32 v6, v5  }
0x1cf: {  	v6 =	vld [tilespmem:s23+$0x4F50]  }
0x1d0: {  	v1 =	vadd.f32 v2, v1;
	v2 =	vmul.f32 v8, v7;
	v7 =	vld [tilespmem:s23+$0x4F60]  }
0x1d1: {  	v8 =	vld [tilespmem:s23+$0x7760]  }
0x1d2: {  	v5 =	vld [tilespmem:s23+$0x7770];
	v3 =	vmul.f32 v4, v3;
	v10 =	vadd.f32 v2, v1  }
0x1d3: {  	s25 =	simm.s32 $0x80;
	v2 =	vld [tilespmem:s23+$0x4F70]  }
0x1d4: {  	v4 =	vld [tilespmem:s25+$0x4F10];
	v6 =	vmul.f32 v9, v6;
	v10 =	vadd.f32 v3, v10  }
0x1d5: {  	v1 =	vld [tilespmem:s25+$0x4F00]  }
0x1d6: {  	s24 =	simm.s32 $0x0;
	s26 =	simm.s32 $0x400;
	v3 =	vld [tilespmem:s25+$0x7700];
	v7 =	vmul.f32 v8, v7;
	v6 =	vadd.f32 v6, v10  }
.LBB2_12:
0x1d7: {  	p0 =	sne.s32 s26, $0x9E00;
	v8 =	vld [tilespmem:s25+$0x7710]  }
0x1d8: {  	v9 =	vld [tilespmem:s25+$0x4F20];
	v6 =	vadd.f32 v7, v6;
	v2 =	vmul.f32 v5, v2  }
0x1d9: {  	v5 =	vld [tilespmem:s25+$0x7720]  }
0x1da: {  	v7 =	vld [tilespmem:s25+$0x4F30];
	v2 =	vadd.f32 v2, v6  }
0x1db: {  	v6 =	vld [tilespmem:s25+$0x7730]  }
0x1dc: {  	v1 =	vmul.f32 v3, v1;
	v3 =	vmul.f32 v8, v4;
	v4 =	vld [tilespmem:s25+$0x4F40];
	[tilespmem:s23+$0x11680] =	vst v2;
	s23 =	smov.u32 s25  }
0x1dd: {  	v2 =	vld [tilespmem:s23+$0x7740]  }
0x1de: {  	v1 =	vadd.f32 v3, v1;
	v3 =	vmul.f32 v5, v9;
	v8 =	vld [tilespmem:s23+$0x4F50]  }
0x1df: {  	v9 =	vld [tilespmem:s23+$0x7750]  }
0x1e0: {  	v1 =	vadd.f32 v3, v1;
	v3 =	vmul.f32 v6, v7;
	v7 =	vld [tilespmem:s23+$0x4F60]  }
0x1e1: {  	v10 =	vld [tilespmem:s23+$0x7760]  }
.Ltmp5:
0x1e2: {  	v3 =	vadd.f32 v3, v1;
	v4 =	vmul.f32 v2, v4;
	v2 =	vld [tilespmem:s23+$0x4F70];
	(pc) =	sbr.rel @p0 .LBB2_12-.Ltmp5, $4  }
0x1e3: {  	s25 =	sshra.s32 s26, $0x2;
	v5 =	vld [tilespmem:s23+$0x7770]  }
0x1e4: {  	v1 =	vld [tilespmem:s25+$0x4F00];
	v6 =	vadd.f32 v4, v3;
	v8 =	vmul.f32 v9, v8  }
0x1e5: {  	v3 =	vld [tilespmem:s25+$0x7700]  }
0x1e6: {  	s26 =	sadd.s32 $0x200, s26;
	v4 =	vld [tilespmem:s25+$0x4F10];
	v6 =	vadd.f32 v8, v6;
	v7 =	vmul.f32 v10, v7  }
0x1e7: {  	v8 =	vld [tilespmem:s25+$0x7710]  }
0x1e8: {  	v9 =	vld [tilespmem:s25+$0x4F20];
	v6 =	vadd.f32 v7, v6;
	v2 =	vmul.f32 v5, v2  }
0x1e9: {  	v5 =	vld [tilespmem:s25+$0x7720]  }
0x1ea: {  	v7 =	vld [tilespmem:s25+$0x4F30];
	v2 =	vadd.f32 v2, v6  }
0x1eb: {  	v6 =	vld [tilespmem:s25+$0x7730]  }
0x1ec: {  	v10 =	vld [tilespmem:s25+$0x4F40];
	v1 =	vmul.f32 v3, v1;
	v3 =	vmul.f32 v8, v4;
	[tilespmem:s23+$0x11680] =	vst v2  }
0x1ed: {  	v2 =	vld [tilespmem:s25+$0x7740]  }
0x1ee: {  	v4 =	vld [tilespmem:s25+$0x4F50];
	v1 =	vadd.f32 v3, v1;
	v3 =	vmul.f32 v5, v9  }
0x1ef: {  	v5 =	vld [tilespmem:s25+$0x7750]  }
0x1f0: {  	v1 =	vadd.f32 v3, v1;
	v3 =	vmul.f32 v6, v7;
	v6 =	vld [tilespmem:s25+$0x4F60]  }
0x1f1: {  	v7 =	vld [tilespmem:s25+$0x7760]  }
0x1f2: {  	v57 =	vld [tilespmem:s25+$0x7770];
	v1 =	vadd.f32 v3, v1;
	v2 =	vmul.f32 v2, v10  }
0x1f3: {  	v3 =	vld [tilespmem:s25+$0x4F70]  }
0x1f4: {  	v1 =	vadd.f32 v2, v1;
	v2 =	vmul.f32 v5, v4  }
0x1f5: {  	v4 =	vmov s24  }
0x1f6: {  	v4 =	vshll.u32 v4, $0x7;
	v1 =	vadd.f32 v2, v1;
	v2 =	vmul.f32 v7, v6  }
0x1f7: {  	v4 =	vor.u32 v0, v4  }
0x1f8: {  	v1 =	vadd.f32 v2, v1;
	v2 =	vmul.f32 v57, v3;
	v3 =	vor.u32 $0x1, v4;
	_ =	sdelay $0x1  }
0x1f9: {  	v1 =	vadd.f32 v2, v1  }
0x1fa: {  	v2 =	vor.u32 $0x2, v4  }
0x1fb: {  	[tilespmem:s25+$0x11680] =	vst v1  }
0x1fc: {  	v1 =	vld.idx.msk [tilespmem:v3+s18+$0x0], $0xffff;
	v3 =	vor.u32 $0x3, v4  }
0x1fd: {  	v5 =	vld.idx.msk [tilespmem:v4+s18+$0x0], $0xffff  }
0x1fe: {  	v6 =	vor.u32 $0x4, v4  }
0x1ff: {  	v2 =	vld.idx.msk [tilespmem:v2+s18+$0x0], $0xffff  }
0x200: {  	v7 =	vor.u32 $0x5, v4  }
0x201: {  	v3 =	vld.idx.msk [tilespmem:v3+s18+$0x0], $0xffff  }
0x202: {  	v58 =	vor.u32 $0x6, v4;
	v1 =	vadd.f32 v1, v5  }
0x203: {  	v5 =	vld.idx.msk [tilespmem:v6+s18+$0x0], $0xffff  }
0x204: {  	v6 =	vor.u32 $0x7, v4;
	v1 =	vadd.f32 v2, v1  }
0x205: {  	v2 =	vld.idx.msk [tilespmem:v7+s18+$0x0], $0xffff  }
0x206: {  	v7 =	vor.u32 $0x8, v4;
	v1 =	vadd.f32 v3, v1  }
0x207: {  	v3 =	vld.idx.msk [tilespmem:v58+s18+$0x0], $0xffff  }
0x208: {  	v59 =	vor.u32 $0x9, v4;
	v1 =	vadd.f32 v5, v1  }
0x209: {  	v5 =	vld.idx.msk [tilespmem:v6+s18+$0x0], $0xffff  }
0x20a: {  	v6 =	vor.u32 $0xA, v4;
	v1 =	vadd.f32 v2, v1  }
0x20b: {  	v2 =	vld.idx.msk [tilespmem:v7+s18+$0x0], $0xffff  }
0x20c: {  	v7 =	vor.u32 $0xB, v4;
	v1 =	vadd.f32 v3, v1  }
0x20d: {  	v3 =	vld.idx.msk [tilespmem:v59+s18+$0x0], $0xffff  }
0x20e: {  	v60 =	vor.u32 $0xC, v4;
	v1 =	vadd.f32 v5, v1  }
0x20f: {  	v5 =	vld.idx.msk [tilespmem:v6+s18+$0x0], $0xffff  }
0x210: {  	v6 =	vor.u32 $0xD, v4;
	v1 =	vadd.f32 v2, v1  }
0x211: {  	v2 =	vld.idx.msk [tilespmem:v7+s18+$0x0], $0xffff  }
0x212: {  	v7 =	vor.u32 $0xE, v4;
	v1 =	vadd.f32 v3, v1  }
0x213: {  	v3 =	vld.idx.msk [tilespmem:v60+s18+$0x0], $0xffff  }
0x214: {  	v4 =	vor.u32 $0xF, v4;
	v1 =	vadd.f32 v5, v1  }
0x215: {  	v5 =	vld.idx.msk [tilespmem:v6+s18+$0x0], $0xffff  }
0x216: {  	v1 =	vadd.f32 v2, v1  }
0x217: {  	v2 =	vld.idx.msk [tilespmem:v7+s18+$0x0], $0xffff  }
0x218: {  	s30 =	simm.s32 $0x10;
	v1 =	vadd.f32 v3, v1  }
0x219: {  	v3 =	vld.idx.msk [tilespmem:v4+s18+$0x0], $0xffff;
	v4 =	vmov s30  }
0x21a: {  	v4 =	vshll.u32 v4, $0x7;
	v1 =	vadd.f32 v5, v1  }
0x21b: {  	v4 =	vor.u32 v0, v4  }
0x21c: {  	v5 =	vor.u32 $0x1, v4;
	v1 =	vadd.f32 v2, v1;
	_ =	sdelay $0x1  }
0x21d: {  	v1 =	vadd.f32 v3, v1  }
0x21e: {  	s23 =	simm.s32 $0x115C0;
	v2 =	vor.u32 $0x2, v4  }
0x21f: {  	[tilespmem:s23+$0x0] =	vst v1  }
0x220: {  	v3 =	vor.u32 $0x3, v4;
	v1 =	vld.idx.msk [tilespmem:v5+s18+$0x0], $0xffff  }
0x221: {  	v5 =	vld.idx.msk [tilespmem:v4+s18+$0x0], $0xffff  }
0x222: {  	v6 =	vor.u32 $0x4, v4  }
0x223: {  	v2 =	vld.idx.msk [tilespmem:v2+s18+$0x0], $0xffff  }
0x224: {  	v7 =	vor.u32 $0x5, v4  }
0x225: {  	v3 =	vld.idx.msk [tilespmem:v3+s18+$0x0], $0xffff  }
0x226: {  	v61 =	vor.u32 $0x6, v4;
	v1 =	vadd.f32 v1, v5  }
0x227: {  	v5 =	vld.idx.msk [tilespmem:v6+s18+$0x0], $0xffff  }
0x228: {  	v6 =	vor.u32 $0x7, v4;
	v1 =	vadd.f32 v2, v1  }
0x229: {  	v2 =	vld.idx.msk [tilespmem:v7+s18+$0x0], $0xffff  }
0x22a: {  	v7 =	vor.u32 $0x8, v4;
	v1 =	vadd.f32 v3, v1  }
0x22b: {  	v3 =	vld.idx.msk [tilespmem:v61+s18+$0x0], $0xffff  }
0x22c: {  	v62 =	vor.u32 $0x9, v4;
	v1 =	vadd.f32 v5, v1  }
0x22d: {  	v5 =	vld.idx.msk [tilespmem:v6+s18+$0x0], $0xffff  }
0x22e: {  	v6 =	vor.u32 $0xA, v4;
	v1 =	vadd.f32 v2, v1  }
0x22f: {  	v2 =	vld.idx.msk [tilespmem:v7+s18+$0x0], $0xffff  }
0x230: {  	v7 =	vor.u32 $0xB, v4;
	v1 =	vadd.f32 v3, v1  }
0x231: {  	v3 =	vld.idx.msk [tilespmem:v62+s18+$0x0], $0xffff  }
0x232: {  	v63 =	vor.u32 $0xC, v4;
	v1 =	vadd.f32 v5, v1  }
0x233: {  	v5 =	vld.idx.msk [tilespmem:v6+s18+$0x0], $0xffff  }
0x234: {  	v1 =	vadd.f32 v2, v1  }
0x235: {  	v6 =	vor.u32 $0xD, v4;
	v2 =	vld.idx.msk [tilespmem:v7+s18+$0x0], $0xffff  }
0x236: {  	v1 =	vadd.f32 v3, v1  }
0x237: {  	v7 =	vor.u32 $0xE, v4;
	v3 =	vld.idx.msk [tilespmem:v63+s18+$0x0], $0xffff  }
0x238: {  	v1 =	vadd.f32 v5, v1  }
0x239: {  	v4 =	vor.u32 $0xF, v4  }
0x23a: {  	v5 =	vld.idx.msk [tilespmem:v6+s18+$0x0], $0xffff;
	v1 =	vadd.f32 v2, v1;
	_ =	sdelay $0x1  }
0x23b: {  	v3 =	vadd.f32 v3, v1;
	v1 =	vld.idx.msk [tilespmem:v7+s18+$0x0], $0xffff  }
0x23c: {  	s31 =	simm.s32 $0x20  }
0x23d: {  	v6 =	vmov s31;
	v2 =	vld.idx.msk [tilespmem:v4+s18+$0x0], $0xffff  }
0x23e: {  	s24 =	simm.s32 $0x30;
	v4 =	vshll.u32 v6, $0x7;
	v3 =	vadd.f32 v5, v3  }
.LBB2_14:
0x23f: {  	p0 =	sne.s32 s24, $0x40;
	v4 =	vor.u32 v0, v4  }
0x240: {  	v5 =	vor.u32 $0x1, v4;
	v1 =	vadd.f32 v1, v3;
	_ =	sdelay $0x1  }
0x241: {  	v1 =	vadd.f32 v2, v1  }
0x242: {  	s23 =	sadd.s32 $0x10, s23;
	v2 =	vor.u32 $0x2, v4  }
0x243: {  	[tilespmem:s23+$0x0] =	vst v1  }
0x244: {  	v3 =	vor.u32 $0x3, v4;
	v1 =	vld.idx.msk [tilespmem:v5+s18+$0x0], $0xffff  }
0x245: {  	v5 =	vld.idx.msk [tilespmem:v4+s18+$0x0], $0xffff  }
0x246: {  	v6 =	vor.u32 $0x4, v4  }
0x247: {  	v2 =	vld.idx.msk [tilespmem:v2+s18+$0x0], $0xffff  }
0x248: {  	v7 =	vor.u32 $0x5, v4  }
0x249: {  	v3 =	vld.idx.msk [tilespmem:v3+s18+$0x0], $0xffff  }
0x24a: {  	v8 =	vor.u32 $0x6, v4  }
0x24b: {  	v1 =	vadd.f32 v1, v5;
	v5 =	vld.idx.msk [tilespmem:v6+s18+$0x0], $0xffff  }
0x24c: {  	v6 =	vor.u32 $0x7, v4  }
0x24d: {  	v1 =	vadd.f32 v2, v1;
	v2 =	vld.idx.msk [tilespmem:v7+s18+$0x0], $0xffff  }
0x24e: {  	v7 =	vor.u32 $0x8, v4  }
0x24f: {  	v1 =	vadd.f32 v3, v1;
	v3 =	vld.idx.msk [tilespmem:v8+s18+$0x0], $0xffff  }
0x250: {  	v8 =	vor.u32 $0x9, v4  }
0x251: {  	v1 =	vadd.f32 v5, v1;
	v5 =	vld.idx.msk [tilespmem:v6+s18+$0x0], $0xffff  }
0x252: {  	v6 =	vor.u32 $0xA, v4  }
0x253: {  	v1 =	vadd.f32 v2, v1;
	v2 =	vld.idx.msk [tilespmem:v7+s18+$0x0], $0xffff  }
0x254: {  	v7 =	vor.u32 $0xB, v4  }
0x255: {  	v1 =	vadd.f32 v3, v1;
	v3 =	vld.idx.msk [tilespmem:v8+s18+$0x0], $0xffff  }
0x256: {  	v8 =	vor.u32 $0xC, v4  }
0x257: {  	v1 =	vadd.f32 v5, v1;
	v5 =	vld.idx.msk [tilespmem:v6+s18+$0x0], $0xffff  }
0x258: {  	v6 =	vor.u32 $0xD, v4  }
0x259: {  	v1 =	vadd.f32 v2, v1;
	v2 =	vld.idx.msk [tilespmem:v7+s18+$0x0], $0xffff  }
0x25a: {  	v7 =	vor.u32 $0xE, v4  }
0x25b: {  	v1 =	vadd.f32 v3, v1;
	v3 =	vld.idx.msk [tilespmem:v8+s18+$0x0], $0xffff  }
0x25c: {  	v4 =	vor.u32 $0xF, v4  }
0x25d: {  	v1 =	vadd.f32 v5, v1;
	v5 =	vld.idx.msk [tilespmem:v6+s18+$0x0], $0xffff;
	_ =	sdelay $0x1  }
.Ltmp6:
0x25e: {  	v2 =	vadd.f32 v2, v1;
	v1 =	vld.idx.msk [tilespmem:v7+s18+$0x0], $0xffff;
	(pc) =	sbr.rel @p0 .LBB2_14-.Ltmp6, $4  }
0x25f: {  	_ = 	snop  }
0x260: {  	v3 =	vadd.f32 v3, v2;
	v2 =	vld.idx.msk [tilespmem:v4+s18+$0x0], $0xffff  }
0x261: {  	v4 =	vmov s24  }
0x262: {  	s24 =	sadd.s32 $0x10, s24;
	v4 =	vshll.u32 v4, $0x7;
	v3 =	vadd.f32 v5, v3  }
0x263: {  	v4 =	vor.u32 v0, v4  }
0x264: {  	v5 =	vor.u32 $0x1, v4;
	v1 =	vadd.f32 v1, v3;
	_ =	sdelay $0x1  }
0x265: {  	v1 =	vadd.f32 v2, v1  }
0x266: {  	s23 =	sadd.s32 $0x10, s23;
	v2 =	vor.u32 $0x2, v4  }
0x267: {  	[tilespmem:s23+$0x0] =	vst v1  }
0x268: {  	v3 =	vor.u32 $0x3, v4;
	v1 =	vld.idx.msk [tilespmem:v5+s18+$0x0], $0xffff  }
0x269: {  	v51 =	vld.idx.msk [tilespmem:v4+s18+$0x0], $0xffff  }
0x26a: {  	v6 =	vor.u32 $0x4, v4  }
0x26b: {  	v2 =	vld.idx.msk [tilespmem:v2+s18+$0x0], $0xffff  }
0x26c: {  	v7 =	vor.u32 $0x5, v4  }
0x26d: {  	v3 =	vld.idx.msk [tilespmem:v3+s18+$0x0], $0xffff  }
0x26e: {  	v8 =	vor.u32 $0x6, v4;
	v1 =	vadd.f32 v1, v51  }
0x26f: {  	v52 =	vld.idx.msk [tilespmem:v6+s18+$0x0], $0xffff  }
0x270: {  	v53 =	vor.u32 $0x7, v4;
	v1 =	vadd.f32 v2, v1  }
0x271: {  	v2 =	vld.idx.msk [tilespmem:v7+s18+$0x0], $0xffff  }
0x272: {  	v54 =	vor.u32 $0x8, v4;
	v1 =	vadd.f32 v3, v1  }
0x273: {  	v3 =	vld.idx.msk [tilespmem:v8+s18+$0x0], $0xffff  }
0x274: {  	v55 =	vor.u32 $0x9, v4;
	v1 =	vadd.f32 v52, v1  }
0x275: {  	v56 =	vld.idx.msk [tilespmem:v53+s18+$0x0], $0xffff  }
0x276: {  	v57 =	vor.u32 $0xA, v4;
	v1 =	vadd.f32 v2, v1  }
0x277: {  	v2 =	vld.idx.msk [tilespmem:v54+s18+$0x0], $0xffff  }
0x278: {  	v58 =	vor.u32 $0xB, v4;
	v1 =	vadd.f32 v3, v1  }
0x279: {  	v3 =	vld.idx.msk [tilespmem:v55+s18+$0x0], $0xffff  }
0x27a: {  	v59 =	vor.u32 $0xC, v4;
	v1 =	vadd.f32 v56, v1  }
0x27b: {  	v60 =	vld.idx.msk [tilespmem:v57+s18+$0x0], $0xffff  }
0x27c: {  	v61 =	vor.u32 $0xD, v4;
	v1 =	vadd.f32 v2, v1  }
0x27d: {  	v2 =	vld.idx.msk [tilespmem:v58+s18+$0x0], $0xffff  }
0x27e: {  	v62 =	vor.u32 $0xE, v4;
	v1 =	vadd.f32 v3, v1  }
0x27f: {  	v3 =	vld.idx.msk [tilespmem:v59+s18+$0x0], $0xffff  }
0x280: {  	v4 =	vor.u32 $0xF, v4;
	v1 =	vadd.f32 v60, v1  }
0x281: {  	v63 =	vld.idx.msk [tilespmem:v61+s18+$0x0], $0xffff  }
0x282: {  	v1 =	vadd.f32 v2, v1  }
0x283: {  	v2 =	vld.idx.msk [tilespmem:v62+s18+$0x0], $0xffff  }
0x284: {  	v1 =	vadd.f32 v3, v1  }
0x285: {  	v3 =	vld.idx.msk [tilespmem:v4+s18+$0x0], $0xffff  }
0x286: {  	v1 =	vadd.f32 v63, v1;
	_ =	sdelay $0x1  }
0x287: {  	v1 =	vadd.f32 v2, v1;
	_ =	sdelay $0x1  }
0x288: {  	s22 =	sadd.s32 $0x1, s22;
	v1 =	vadd.f32 v3, v1  }
0x289: {  	p0 =	sne.s32 s22, s8;
	s23 =	sadd.s32 $0x10, s23  }
.Ltmp7:
0x28a: {  	[tilespmem:s23+$0x0] =	vst v1;
	(pc) =	sbr.rel @p0 .LBB2_1-.Ltmp7, $4  }
0x28b: {  	[hbm4b:s7+s4] =	stream.linear.scatter [tilespmem:s21], [sflag:$0x5], $0x2710, $0x38;
	[tilespmem:$0x13E80] =	vst v63  }
0x28c: {  	_ =	swait.ge [sflag:s9], $0x2710  }
0x28d: {  	[sflag:s9] =	ssyncset.done $0x0  }
0x28e: {  	[sflag:s9] =	ssyncadd.s32 $0xFFFFD8F0  }
0x28f: {  	_ =	sfence.sel $0x180000  }
0x290: {  	[bflag:$0x0] =	sbarrier.arrive $0xFFFF  }
0x291: {  	p0 =	sne.s32 s0, $0x0;
	_ =	strace $0x90000047  }
0x292: {  	s0 =	sadd.s32 @!p0 $0x100000, s3;
	[bflag:$0x2] =	sbarrier.arrive $0xFFFF  }
0x293: {  	[sflag:s0] =	ssyncadd.tile.s32 @!p0 $0x1;
	_ =	shalt  }
.Lfunc_end2:
_tile_overlayer_lowered:
.L_overlay_start_2:
0x294: {  	(tag) =	ssettag $0x2  }
0x295: {  	s0 =	rddreg [dreg:$0x0];
	s2 =	stileid.u32  }
0x296: {  	s1 =	rddreg [dreg:$0x1];
	p0 =	sne.s32 s2, $0x0  }
0x297: {  	s3 =	rddreg [dreg:$0x2];
	[bflag:$0x3] =	sbarrier.arrive $0xFFFF;
	s2 =	simm.s32 @!p0 $0x1C05  }
0x298: {  	[timem:s3], [sflag:s2] =	dma.local @!p0 [hbm:s0], s1  }
0x299: {  	s0 =	simm.s32 @!p0 $0x5  }
0x29a: {  	_ =	swait.ge @!p0 [sflag:s0], s1  }
0x29b: {  	s1 =	ssub.s32 @!p0 $0x0, s1;
	[sflag:s0] =	ssyncset.done @!p0 $0x0  }
0x29c: {  	[sflag:s0] =	ssyncadd.s32 @!p0 s1  }
0x29d: {  	[bflag:$0x3] =	sbarrier.arrive $0xFFFF  }
0x29e: {  	_ =	shalt  }

</sc_bundles>
